<compile_context>
chip_gen: v7x
topology: tpu7x:2x2x1
jax: 0.10.2.dev20260603
libtpu: 0.0.44.dev20260713+nightly
codegen_flags: <defaults>
</compile_context>

<pallas_src>
import jax
import jax.numpy as jnp
from jax import lax
from jax.experimental import pallas as pl
from jax.experimental.pallas import tpu as pltpu
from jax.experimental.pallas import tpu_sc as plsc

NC = 2
NS = 16
L = 16
NW = NC * NS

TOK = 32 * 4096
D = 8
TOK_W = TOK // NW
ROWS_W = TOK_W * D // 128
STEPS = TOK_W // L

BF16_HALF = 0x3F000000


HI = 0.501953125
CEN = 0.50048828125
RAD = 0.00146484375


def _encode_body(x_hbm, out_hbm, x_v, out_v, counts_v, ids_v, tie_v, sem):
    wid = lax.axis_index("s") * NC + lax.axis_index("c")
    pltpu.sync_copy(x_hbm.at[pl.ds(wid * ROWS_W, ROWS_W), :], x_v)

    lane = lax.iota(jnp.int32, L)
    zero = jnp.zeros((L,), jnp.int32)
    fzero = jnp.zeros((L,), jnp.float32)
    fone = jnp.full((L,), 1.0, jnp.float32)
    wts = [jnp.full((L,), 1 << e, jnp.int32) for e in range(D)]

    def group(i):
        t = i >> 3
        col = (i & 7) * L
        acc = zero
        dmin = fone
        for e in range(D):
            g = x_v[(e >> 2) * 128 + t * 4 + (e & 3), pl.ds(col, L)]
            acc = acc | jnp.where(g > HI, wts[e], zero)
            dmin = jnp.minimum(dmin, jnp.abs(g - CEN))
        out_v[t, pl.ds(col, L)] = acc
        anytie = dmin <= RAD
        counts_v[i, pl.ds(0, L)] = plsc.all_reduce_population_count(anytie)
        plsc.store_compressed(ids_v.at[i], lane + i * L, mask=anytie)

    plsc.parallel_loop(0, STEPS, 1, unroll=2)(group)

    def compact(i, cnt):
        c = counts_v[i, pl.ds(0, L)][0]
        ids = ids_v[i, pl.ds(0, L)]
        plsc.store_compressed(tie_v.at[pl.ds(cnt, L)], ids, mask=lane < c)
        return cnt + c

    cnt = lax.fori_loop(0, STEPS, compact, jnp.int32(0))

    def fix(k, carry):
        base = k * L
        tid0 = tie_v[pl.ds(base, L)]
        valid = (lane + base) < cnt
        tid = jnp.where(valid, tid0, zero)
        trow = tid >> 7
        tm = tid & 127
        acc = zero
        tw = zero
        p0 = fzero
        t0 = fzero
        sq = []
        for e in range(D):
            g = plsc.load_gather(
                x_v, [(e >> 2) * 128 + trow * 4 + (e & 3), tm]
            )
            u = plsc.bitcast(g, jnp.int32)
            xbb = (u + 0x7FFF + ((u >> 16) & 1)) & jnp.int32(-0x10000)
            dec = xbb > BF16_HALF
            tie = xbb == BF16_HALF
            acc = acc | jnp.where(dec, wts[e], zero)
            tw = tw | jnp.where(tie, wts[e], zero)
            p0 = p0 + jnp.where(dec, plsc.bitcast(xbb, jnp.float32), fzero)
            t0 = t0 + jnp.where(dec, fone, fzero)
            sq.append(g * g)
        a = [sq[e] + sq[e + 4] for e in range(4)]
        b = [a[0] + a[2], a[1] + a[3]]
        sS = b[0] + b[1]
        p2 = p0 + p0
        a0 = (sS - p2) + t0
        a1 = (sS - (p2 + fone)) + (t0 + fone)
        new = acc | jnp.where(a1 < a0, tw, zero)
        plsc.store_scatter(out_v, [trow, tm], new, mask=valid)
        return carry

    lax.fori_loop(0, (cnt + L - 1) >> 4, fix, 0)
    pltpu.sync_copy(
        out_v, out_hbm.at[pl.ds((wid >> 3) * 32, 32), wid & 7, :]
    )


@jax.jit
def _encode(x2d):
    mesh = plsc.VectorSubcoreMesh(core_axis_name="c", subcore_axis_name="s")
    return pl.kernel(
        _encode_body,
        out_type=jax.ShapeDtypeStruct((128, 8, 128), jnp.int32),
        mesh=mesh,
        scratch_types=[
            pltpu.VMEM((ROWS_W, 128), jnp.float32),
            pltpu.VMEM((TOK_W // 128, 128), jnp.int32),
            pltpu.VMEM((STEPS, L), jnp.int32),
            pltpu.VMEM((STEPS, L), jnp.int32),
            pltpu.VMEM((TOK_W + L, ), jnp.int32),
            pltpu.SemaphoreType.DMA,
        ],
        compiler_params=pltpu.CompilerParams(needs_layout_passes=False, skip_device_barrier=True),
    )(x2d)


def kernel(projection_windows, emb_weight):
    del emb_weight
    shape = projection_windows.shape
    z = (
        projection_windows.reshape(32, 32, 128, 2, 4)
        .transpose(0, 3, 1, 4, 2)
        .reshape(8192, 128)
    )
    out3 = _encode(z)
    return (
        out3.reshape(4, 32, 8, 128)
        .transpose(0, 2, 1, 3)
        .reshape(shape[:-2])
    )

# --- scband reference (transcript-rebuilt; emitter-appended) ---
"""Pipeline reference for scband-objective-vap-16028817949187 (READ-ONLY COPY).

The authoritative reference and input builder live on the scoring server;
editing this copy changes nothing except your own understanding.
"""

import jax, jax.numpy as jnp
import numpy as np


def _make_codebook():
    # All 2^8 binary one-hot-per-bit code vectors, LSB-first,
    # matching Codebook.single_idx_to_onehot / create_code_vectors.
    idx = np.arange(256)
    bits = ((idx[:, None] >> np.arange(8)[None, :]) & 1).astype(np.float32)
    return jnp.asarray(bits)  # (256, 8)


def setup_inputs(seed: int = 0) -> dict:
    key = jax.random.key(seed)
    projection_windows = jax.random.uniform(key, (32, 4096, 2, 4), dtype=jnp.float32)
    emb_weight = _make_codebook()  # frozen embedding table (n_classes=256, total_bins=8)
    return {"projection_windows": projection_windows, "emb_weight": emb_weight}


def reference(projection_windows, emb_weight):
    # ObjectiveVAP.codebook.encode(projection_windows)
    shape = projection_windows.shape
    assert shape[-2:] == (2, 4)
    flatten = projection_windows.reshape(-1, shape[-2] * shape[-1])  # (B*N, 8)
    embed = emb_weight.T  # (8, 256)
    dist = -(
        jnp.sum(flatten ** 2, axis=1, keepdims=True)
        - 2.0 * (flatten @ embed)
        + jnp.sum(embed ** 2, axis=0, keepdims=True)
    )  # (B*N, 256)
    embed_ind = jnp.argmax(dist, axis=-1)
    return embed_ind.reshape(shape[:-2])  # (B, N) int indices

if __name__ == "__main__":
    import jax
    _d = setup_inputs()
    print(jax.jit(kernel)(*tuple(_d.values())))

</pallas_src>

<mosaic_0001>
#map = affine_map<(d0, d1) -> (0, 0)>
#map1 = affine_map<(d0, d1) -> (0, 0, 0)>
module attributes {stable_mosaic.version = 14 : i64} {
  func.func @_encode_body(%arg0: i32, %arg1: i32, %arg2: memref<8192x128xf32, #tpu.memory_space<hbm>>, %arg3: memref<128x8x128xi32, #tpu.memory_space<hbm>>, %arg4: memref<256x128xf32, #tpu.memory_space<vmem>>, %arg5: memref<32x128xi32, #tpu.memory_space<vmem>>, %arg6: memref<256x16xi32, #tpu.memory_space<vmem>>, %arg7: memref<256x16xi32, #tpu.memory_space<vmem>>, %arg8: memref<4112xi32, #tpu.memory_space<vmem>>, %arg9: memref<!tpu.dma_semaphore, #tpu.memory_space<semaphore_mem>>) attributes {dimension_semantics = [#tpu.dimension_semantics<core_parallel>, #tpu.dimension_semantics<subcore_parallel>], iteration_bounds = array<i64: 2, 16>, scalar_prefetch = 0 : i64, scratch_operands = 6 : i64, tpu.core_type = #tpu.core_type<sc_vector_subcore>, window_params = [{transform_indices = #map}, {transform_indices = #map1}]} {
    %mul3A = arith.constant 2 : i32
    %mul3A_0 = arith.muli %arg1, %mul3A : i32
    %add3A = arith.addi %mul3A_0, %arg0 : i32
    %mul3A_1 = arith.constant 256 : i32
    %mul3A_2 = arith.muli %add3A, %mul3A_1 : i32
    "tpu.region"() ({
      %run_scoped3A = tpu.sem_alloc : memref<!tpu.dma_semaphore, #tpu.memory_space<semaphore_mem>>
      %dma_start3A = arith.constant 0 : i32
      %dma_start3A_50 = tpu.memref_slice %arg2[%mul3A_2, %dma_start3A] : memref<8192x128xf32, #tpu.memory_space<hbm>> -> memref<256x128xf32, #tpu.memory_space<hbm>>
      %dma_start3A_51 = arith.constant 0 : i32
      %dma_start3A_52 = tpu.memref_slice %arg2[%mul3A_2, %dma_start3A_51] : memref<8192x128xf32, #tpu.memory_space<hbm>> -> memref<256x128xf32, #tpu.memory_space<hbm>>
      tpu.enqueue_dma source(%dma_start3A_52 : memref<256x128xf32, #tpu.memory_space<hbm>>) target(%arg4 : memref<256x128xf32, #tpu.memory_space<vmem>>) target_semaphore(%run_scoped3A : memref<!tpu.dma_semaphore, #tpu.memory_space<semaphore_mem>>)
      %dma_wait3A = arith.constant 0 : i32
      %dma_wait3A_53 = tpu.memref_slice %arg2[%mul3A_2, %dma_wait3A] : memref<8192x128xf32, #tpu.memory_space<hbm>> -> memref<256x128xf32, #tpu.memory_space<hbm>>
      %dma_wait3A_54 = arith.constant 0 : i32
      %dma_wait3A_55 = tpu.memref_slice %arg2[%mul3A_2, %dma_wait3A_54] : memref<8192x128xf32, #tpu.memory_space<hbm>> -> memref<256x128xf32, #tpu.memory_space<hbm>>
      tpu.wait_dma2 semaphore(%run_scoped3A : memref<!tpu.dma_semaphore, #tpu.memory_space<semaphore_mem>>) src(%dma_wait3A_55 : memref<256x128xf32, #tpu.memory_space<hbm>>) dst(%arg4 : memref<256x128xf32, #tpu.memory_space<vmem>>)
      tpu.yield
    }) : () -> ()
    %iota3A = tpu.iota {dimensions = array<i32: 0>} : vector<16xi32>
    %broadcast_in_dim3A = arith.constant 0 : i32
    %broadcast_in_dim3A_3 = vector.broadcast %broadcast_in_dim3A : i32 to vector<16xi32>
    %broadcast_in_dim3A_4 = arith.constant 0.000000e+00 : f32
    %broadcast_in_dim3A_5 = vector.broadcast %broadcast_in_dim3A_4 : f32 to vector<16xf32>
    %broadcast_in_dim3A_6 = arith.constant 1.000000e+00 : f32
    %broadcast_in_dim3A_7 = vector.broadcast %broadcast_in_dim3A_6 : f32 to vector<16xf32>
    %broadcast_in_dim3A_8 = arith.constant 1 : i32
    %broadcast_in_dim3A_9 = vector.broadcast %broadcast_in_dim3A_8 : i32 to vector<16xi32>
    %broadcast_in_dim3A_10 = arith.constant 2 : i32
    %broadcast_in_dim3A_11 = vector.broadcast %broadcast_in_dim3A_10 : i32 to vector<16xi32>
    %broadcast_in_dim3A_12 = arith.constant 4 : i32
    %broadcast_in_dim3A_13 = vector.broadcast %broadcast_in_dim3A_12 : i32 to vector<16xi32>
    %broadcast_in_dim3A_14 = arith.constant 8 : i32
    %broadcast_in_dim3A_15 = vector.broadcast %broadcast_in_dim3A_14 : i32 to vector<16xi32>
    %broadcast_in_dim3A_16 = arith.constant 16 : i32
    %broadcast_in_dim3A_17 = vector.broadcast %broadcast_in_dim3A_16 : i32 to vector<16xi32>
    %broadcast_in_dim3A_18 = arith.constant 32 : i32
    %broadcast_in_dim3A_19 = vector.broadcast %broadcast_in_dim3A_18 : i32 to vector<16xi32>
    %broadcast_in_dim3A_20 = arith.constant 64 : i32
    %broadcast_in_dim3A_21 = vector.broadcast %broadcast_in_dim3A_20 : i32 to vector<16xi32>
    %broadcast_in_dim3A_22 = arith.constant 128 : i32
    %broadcast_in_dim3A_23 = vector.broadcast %broadcast_in_dim3A_22 : i32 to vector<16xi32>
    %parallel_loop3A = arith.constant 0 : i32
    %parallel_loop3A_24 = arith.constant 256 : i32
    %parallel_loop3A_25 = arith.constant 1 : i32
    scf.for %parallel_loop3A_50 = %parallel_loop3A to %parallel_loop3A_24 step %parallel_loop3A_25  : i32 {
      %parallel_loop3A_51 = arith.constant 3 : i32
      %parallel_loop3A_52 = arith.shrsi %parallel_loop3A_50, %parallel_loop3A_51 : i32
      %parallel_loop3A_53 = arith.constant 7 : i32
      %parallel_loop3A_54 = arith.andi %parallel_loop3A_50, %parallel_loop3A_53 : i32
      %parallel_loop3A_55 = arith.constant 16 : i32
      %parallel_loop3A_56 = arith.muli %parallel_loop3A_54, %parallel_loop3A_55 : i32
      %parallel_loop3A_57 = arith.constant 4 : i32
      %parallel_loop3A_58 = arith.muli %parallel_loop3A_52, %parallel_loop3A_57 : i32
      %parallel_loop3A_59 = arith.constant 0 : i32
      %parallel_loop3A_60 = arith.addi %parallel_loop3A_59, %parallel_loop3A_58 : i32
      %parallel_loop3A_61 = arith.constant 0 : i32
      %parallel_loop3A_62 = arith.addi %parallel_loop3A_60, %parallel_loop3A_61 : i32
      %parallel_loop3A_63 = arith.index_cast %parallel_loop3A_62 : i32 to index
      %parallel_loop3A_64 = arith.index_cast %parallel_loop3A_56 : i32 to index
      %parallel_loop3A_65 = tpu.vector_load %arg4[%parallel_loop3A_63, %parallel_loop3A_64] {strides = array<i32>} : memref<256x128xf32, #tpu.memory_space<vmem>>, vector<16xf32>,
      %parallel_loop3A_66 = arith.constant 0.501953125 : f32
      %parallel_loop3A_67 = vector.broadcast %parallel_loop3A_66 : f32 to vector<16xf32>
      %parallel_loop3A_68 = arith.cmpf ogt, %parallel_loop3A_65, %parallel_loop3A_67 : vector<16xf32>
      %parallel_loop3A_69 = arith.select %parallel_loop3A_68, %broadcast_in_dim3A_9, %broadcast_in_dim3A_3 : vector<16xi1>, vector<16xi32>
      %parallel_loop3A_70 = arith.ori %broadcast_in_dim3A_3, %parallel_loop3A_69 : vector<16xi32>
      %parallel_loop3A_71 = arith.constant 0.500488281 : f32
      %parallel_loop3A_72 = vector.broadcast %parallel_loop3A_71 : f32 to vector<16xf32>
      %parallel_loop3A_73 = arith.subf %parallel_loop3A_65, %parallel_loop3A_72 : vector<16xf32>
      %parallel_loop3A_74 = math.absf %parallel_loop3A_73 : vector<16xf32>
      %parallel_loop3A_75 = arith.minimumf %broadcast_in_dim3A_7, %parallel_loop3A_74 : vector<16xf32>
      %parallel_loop3A_76 = arith.constant 4 : i32
      %parallel_loop3A_77 = arith.muli %parallel_loop3A_52, %parallel_loop3A_76 : i32
      %parallel_loop3A_78 = arith.constant 0 : i32
      %parallel_loop3A_79 = arith.addi %parallel_loop3A_78, %parallel_loop3A_77 : i32
      %parallel_loop3A_80 = arith.constant 1 : i32
      %parallel_loop3A_81 = arith.addi %parallel_loop3A_79, %parallel_loop3A_80 : i32
      %parallel_loop3A_82 = arith.index_cast %parallel_loop3A_81 : i32 to index
      %parallel_loop3A_83 = arith.index_cast %parallel_loop3A_56 : i32 to index
      %parallel_loop3A_84 = tpu.vector_load %arg4[%parallel_loop3A_82, %parallel_loop3A_83] {strides = array<i32>} : memref<256x128xf32, #tpu.memory_space<vmem>>, vector<16xf32>,
      %parallel_loop3A_85 = arith.constant 0.501953125 : f32
      %parallel_loop3A_86 = vector.broadcast %parallel_loop3A_85 : f32 to vector<16xf32>
      %parallel_loop3A_87 = arith.cmpf ogt, %parallel_loop3A_84, %parallel_loop3A_86 : vector<16xf32>
      %parallel_loop3A_88 = arith.select %parallel_loop3A_87, %broadcast_in_dim3A_11, %broadcast_in_dim3A_3 : vector<16xi1>, vector<16xi32>
      %parallel_loop3A_89 = arith.ori %parallel_loop3A_70, %parallel_loop3A_88 : vector<16xi32>
      %parallel_loop3A_90 = arith.constant 0.500488281 : f32
      %parallel_loop3A_91 = vector.broadcast %parallel_loop3A_90 : f32 to vector<16xf32>
      %parallel_loop3A_92 = arith.subf %parallel_loop3A_84, %parallel_loop3A_91 : vector<16xf32>
      %parallel_loop3A_93 = math.absf %parallel_loop3A_92 : vector<16xf32>
      %parallel_loop3A_94 = arith.minimumf %parallel_loop3A_75, %parallel_loop3A_93 : vector<16xf32>
      %parallel_loop3A_95 = arith.constant 4 : i32
      %parallel_loop3A_96 = arith.muli %parallel_loop3A_52, %parallel_loop3A_95 : i32
      %parallel_loop3A_97 = arith.constant 0 : i32
      %parallel_loop3A_98 = arith.addi %parallel_loop3A_97, %parallel_loop3A_96 : i32
      %parallel_loop3A_99 = arith.constant 2 : i32
      %parallel_loop3A_100 = arith.addi %parallel_loop3A_98, %parallel_loop3A_99 : i32
      %parallel_loop3A_101 = arith.index_cast %parallel_loop3A_100 : i32 to index
      %parallel_loop3A_102 = arith.index_cast %parallel_loop3A_56 : i32 to index
      %parallel_loop3A_103 = tpu.vector_load %arg4[%parallel_loop3A_101, %parallel_loop3A_102] {strides = array<i32>} : memref<256x128xf32, #tpu.memory_space<vmem>>, vector<16xf32>,
      %parallel_loop3A_104 = arith.constant 0.501953125 : f32
      %parallel_loop3A_105 = vector.broadcast %parallel_loop3A_104 : f32 to vector<16xf32>
      %parallel_loop3A_106 = arith.cmpf ogt, %parallel_loop3A_103, %parallel_loop3A_105 : vector<16xf32>
      %parallel_loop3A_107 = arith.select %parallel_loop3A_106, %broadcast_in_dim3A_13, %broadcast_in_dim3A_3 : vector<16xi1>, vector<16xi32>
      %parallel_loop3A_108 = arith.ori %parallel_loop3A_89, %parallel_loop3A_107 : vector<16xi32>
      %parallel_loop3A_109 = arith.constant 0.500488281 : f32
      %parallel_loop3A_110 = vector.broadcast %parallel_loop3A_109 : f32 to vector<16xf32>
      %parallel_loop3A_111 = arith.subf %parallel_loop3A_103, %parallel_loop3A_110 : vector<16xf32>
      %parallel_loop3A_112 = math.absf %parallel_loop3A_111 : vector<16xf32>
      %parallel_loop3A_113 = arith.minimumf %parallel_loop3A_94, %parallel_loop3A_112 : vector<16xf32>
      %parallel_loop3A_114 = arith.constant 4 : i32
      %parallel_loop3A_115 = arith.muli %parallel_loop3A_52, %parallel_loop3A_114 : i32
      %parallel_loop3A_116 = arith.constant 0 : i32
      %parallel_loop3A_117 = arith.addi %parallel_loop3A_116, %parallel_loop3A_115 : i32
      %parallel_loop3A_118 = arith.constant 3 : i32
      %parallel_loop3A_119 = arith.addi %parallel_loop3A_117, %parallel_loop3A_118 : i32
      %parallel_loop3A_120 = arith.index_cast %parallel_loop3A_119 : i32 to index
      %parallel_loop3A_121 = arith.index_cast %parallel_loop3A_56 : i32 to index
      %parallel_loop3A_122 = tpu.vector_load %arg4[%parallel_loop3A_120, %parallel_loop3A_121] {strides = array<i32>} : memref<256x128xf32, #tpu.memory_space<vmem>>, vector<16xf32>,
      %parallel_loop3A_123 = arith.constant 0.501953125 : f32
      %parallel_loop3A_124 = vector.broadcast %parallel_loop3A_123 : f32 to vector<16xf32>
      %parallel_loop3A_125 = arith.cmpf ogt, %parallel_loop3A_122, %parallel_loop3A_124 : vector<16xf32>
      %parallel_loop3A_126 = arith.select %parallel_loop3A_125, %broadcast_in_dim3A_15, %broadcast_in_dim3A_3 : vector<16xi1>, vector<16xi32>
      %parallel_loop3A_127 = arith.ori %parallel_loop3A_108, %parallel_loop3A_126 : vector<16xi32>
      %parallel_loop3A_128 = arith.constant 0.500488281 : f32
      %parallel_loop3A_129 = vector.broadcast %parallel_loop3A_128 : f32 to vector<16xf32>
      %parallel_loop3A_130 = arith.subf %parallel_loop3A_122, %parallel_loop3A_129 : vector<16xf32>
      %parallel_loop3A_131 = math.absf %parallel_loop3A_130 : vector<16xf32>
      %parallel_loop3A_132 = arith.minimumf %parallel_loop3A_113, %parallel_loop3A_131 : vector<16xf32>
      %parallel_loop3A_133 = arith.constant 4 : i32
      %parallel_loop3A_134 = arith.muli %parallel_loop3A_52, %parallel_loop3A_133 : i32
      %parallel_loop3A_135 = arith.constant 128 : i32
      %parallel_loop3A_136 = arith.addi %parallel_loop3A_135, %parallel_loop3A_134 : i32
      %parallel_loop3A_137 = arith.constant 0 : i32
      %parallel_loop3A_138 = arith.addi %parallel_loop3A_136, %parallel_loop3A_137 : i32
      %parallel_loop3A_139 = arith.index_cast %parallel_loop3A_138 : i32 to index
      %parallel_loop3A_140 = arith.index_cast %parallel_loop3A_56 : i32 to index
      %parallel_loop3A_141 = tpu.vector_load %arg4[%parallel_loop3A_139, %parallel_loop3A_140] {strides = array<i32>} : memref<256x128xf32, #tpu.memory_space<vmem>>, vector<16xf32>,
      %parallel_loop3A_142 = arith.constant 0.501953125 : f32
      %parallel_loop3A_143 = vector.broadcast %parallel_loop3A_142 : f32 to vector<16xf32>
      %parallel_loop3A_144 = arith.cmpf ogt, %parallel_loop3A_141, %parallel_loop3A_143 : vector<16xf32>
      %parallel_loop3A_145 = arith.select %parallel_loop3A_144, %broadcast_in_dim3A_17, %broadcast_in_dim3A_3 : vector<16xi1>, vector<16xi32>
      %parallel_loop3A_146 = arith.ori %parallel_loop3A_127, %parallel_loop3A_145 : vector<16xi32>
      %parallel_loop3A_147 = arith.constant 0.500488281 : f32
      %parallel_loop3A_148 = vector.broadcast %parallel_loop3A_147 : f32 to vector<16xf32>
      %parallel_loop3A_149 = arith.subf %parallel_loop3A_141, %parallel_loop3A_148 : vector<16xf32>
      %parallel_loop3A_150 = math.absf %parallel_loop3A_149 : vector<16xf32>
      %parallel_loop3A_151 = arith.minimumf %parallel_loop3A_132, %parallel_loop3A_150 : vector<16xf32>
      %parallel_loop3A_152 = arith.constant 4 : i32
      %parallel_loop3A_153 = arith.muli %parallel_loop3A_52, %parallel_loop3A_152 : i32
      %parallel_loop3A_154 = arith.constant 128 : i32
      %parallel_loop3A_155 = arith.addi %parallel_loop3A_154, %parallel_loop3A_153 : i32
      %parallel_loop3A_156 = arith.constant 1 : i32
      %parallel_loop3A_157 = arith.addi %parallel_loop3A_155, %parallel_loop3A_156 : i32
      %parallel_loop3A_158 = arith.index_cast %parallel_loop3A_157 : i32 to index
      %parallel_loop3A_159 = arith.index_cast %parallel_loop3A_56 : i32 to index
      %parallel_loop3A_160 = tpu.vector_load %arg4[%parallel_loop3A_158, %parallel_loop3A_159] {strides = array<i32>} : memref<256x128xf32, #tpu.memory_space<vmem>>, vector<16xf32>,
      %parallel_loop3A_161 = arith.constant 0.501953125 : f32
      %parallel_loop3A_162 = vector.broadcast %parallel_loop3A_161 : f32 to vector<16xf32>
      %parallel_loop3A_163 = arith.cmpf ogt, %parallel_loop3A_160, %parallel_loop3A_162 : vector<16xf32>
      %parallel_loop3A_164 = arith.select %parallel_loop3A_163, %broadcast_in_dim3A_19, %broadcast_in_dim3A_3 : vector<16xi1>, vector<16xi32>
      %parallel_loop3A_165 = arith.ori %parallel_loop3A_146, %parallel_loop3A_164 : vector<16xi32>
      %parallel_loop3A_166 = arith.constant 0.500488281 : f32
      %parallel_loop3A_167 = vector.broadcast %parallel_loop3A_166 : f32 to vector<16xf32>
      %parallel_loop3A_168 = arith.subf %parallel_loop3A_160, %parallel_loop3A_167 : vector<16xf32>
      %parallel_loop3A_169 = math.absf %parallel_loop3A_168 : vector<16xf32>
      %parallel_loop3A_170 = arith.minimumf %parallel_loop3A_151, %parallel_loop3A_169 : vector<16xf32>
      %parallel_loop3A_171 = arith.constant 4 : i32
      %parallel_loop3A_172 = arith.muli %parallel_loop3A_52, %parallel_loop3A_171 : i32
      %parallel_loop3A_173 = arith.constant 128 : i32
      %parallel_loop3A_174 = arith.addi %parallel_loop3A_173, %parallel_loop3A_172 : i32
      %parallel_loop3A_175 = arith.constant 2 : i32
      %parallel_loop3A_176 = arith.addi %parallel_loop3A_174, %parallel_loop3A_175 : i32
      %parallel_loop3A_177 = arith.index_cast %parallel_loop3A_176 : i32 to index
      %parallel_loop3A_178 = arith.index_cast %parallel_loop3A_56 : i32 to index
      %parallel_loop3A_179 = tpu.vector_load %arg4[%parallel_loop3A_177, %parallel_loop3A_178] {strides = array<i32>} : memref<256x128xf32, #tpu.memory_space<vmem>>, vector<16xf32>,
      %parallel_loop3A_180 = arith.constant 0.501953125 : f32
      %parallel_loop3A_181 = vector.broadcast %parallel_loop3A_180 : f32 to vector<16xf32>
      %parallel_loop3A_182 = arith.cmpf ogt, %parallel_loop3A_179, %parallel_loop3A_181 : vector<16xf32>
      %parallel_loop3A_183 = arith.select %parallel_loop3A_182, %broadcast_in_dim3A_21, %broadcast_in_dim3A_3 : vector<16xi1>, vector<16xi32>
      %parallel_loop3A_184 = arith.ori %parallel_loop3A_165, %parallel_loop3A_183 : vector<16xi32>
      %parallel_loop3A_185 = arith.constant 0.500488281 : f32
      %parallel_loop3A_186 = vector.broadcast %parallel_loop3A_185 : f32 to vector<16xf32>
      %parallel_loop3A_187 = arith.subf %parallel_loop3A_179, %parallel_loop3A_186 : vector<16xf32>
      %parallel_loop3A_188 = math.absf %parallel_loop3A_187 : vector<16xf32>
      %parallel_loop3A_189 = arith.minimumf %parallel_loop3A_170, %parallel_loop3A_188 : vector<16xf32>
      %parallel_loop3A_190 = arith.constant 4 : i32
      %parallel_loop3A_191 = arith.muli %parallel_loop3A_52, %parallel_loop3A_190 : i32
      %parallel_loop3A_192 = arith.constant 128 : i32
      %parallel_loop3A_193 = arith.addi %parallel_loop3A_192, %parallel_loop3A_191 : i32
      %parallel_loop3A_194 = arith.constant 3 : i32
      %parallel_loop3A_195 = arith.addi %parallel_loop3A_193, %parallel_loop3A_194 : i32
      %parallel_loop3A_196 = arith.index_cast %parallel_loop3A_195 : i32 to index
      %parallel_loop3A_197 = arith.index_cast %parallel_loop3A_56 : i32 to index
      %parallel_loop3A_198 = tpu.vector_load %arg4[%parallel_loop3A_196, %parallel_loop3A_197] {strides = array<i32>} : memref<256x128xf32, #tpu.memory_space<vmem>>, vector<16xf32>,
      %parallel_loop3A_199 = arith.constant 0.501953125 : f32
      %parallel_loop3A_200 = vector.broadcast %parallel_loop3A_199 : f32 to vector<16xf32>
      %parallel_loop3A_201 = arith.cmpf ogt, %parallel_loop3A_198, %parallel_loop3A_200 : vector<16xf32>
      %parallel_loop3A_202 = arith.select %parallel_loop3A_201, %broadcast_in_dim3A_23, %broadcast_in_dim3A_3 : vector<16xi1>, vector<16xi32>
      %parallel_loop3A_203 = arith.ori %parallel_loop3A_184, %parallel_loop3A_202 : vector<16xi32>
      %parallel_loop3A_204 = arith.constant 0.500488281 : f32
      %parallel_loop3A_205 = vector.broadcast %parallel_loop3A_204 : f32 to vector<16xf32>
      %parallel_loop3A_206 = arith.subf %parallel_loop3A_198, %parallel_loop3A_205 : vector<16xf32>
      %parallel_loop3A_207 = math.absf %parallel_loop3A_206 : vector<16xf32>
      %parallel_loop3A_208 = arith.minimumf %parallel_loop3A_189, %parallel_loop3A_207 : vector<16xf32>
      %parallel_loop3A_209 = arith.index_cast %parallel_loop3A_52 : i32 to index
      %parallel_loop3A_210 = arith.index_cast %parallel_loop3A_56 : i32 to index
      %parallel_loop3A_211 = tpu.vector_load %arg5[%parallel_loop3A_209, %parallel_loop3A_210] {strides = array<i32>} : memref<32x128xi32, #tpu.memory_space<vmem>>, vector<16xi32>,
      tpu.vector_store %arg5[%parallel_loop3A_209, %parallel_loop3A_210], %parallel_loop3A_203 {strides = array<i32>} : memref<32x128xi32, #tpu.memory_space<vmem>>, vector<16xi32>,
      %parallel_loop3A_212 = arith.constant 0.00146484375 : f32
      %parallel_loop3A_213 = vector.broadcast %parallel_loop3A_212 : f32 to vector<16xf32>
      %parallel_loop3A_214 = arith.cmpf ole, %parallel_loop3A_208, %parallel_loop3A_213 : vector<16xf32>
      %parallel_loop3A_215 = tpu.all_reduce %parallel_loop3A_214 {dim = 0 : i64, kind = #tpu.reduction_kind<sum>} : vector<16xi1> -> vector<16xi32>
      %parallel_loop3A_216 = arith.index_cast %parallel_loop3A_50 : i32 to index
      %parallel_loop3A_217 = arith.constant 0 : index
      %parallel_loop3A_218 = tpu.vector_load %arg6[%parallel_loop3A_216, %parallel_loop3A_217] {strides = array<i32>} : memref<256x16xi32, #tpu.memory_space<vmem>>, vector<16xi32>,
      tpu.vector_store %arg6[%parallel_loop3A_216, %parallel_loop3A_217], %parallel_loop3A_215 {strides = array<i32>} : memref<256x16xi32, #tpu.memory_space<vmem>>, vector<16xi32>,
      %parallel_loop3A_219 = arith.constant 16 : i32
      %parallel_loop3A_220 = arith.muli %parallel_loop3A_50, %parallel_loop3A_219 : i32
      %parallel_loop3A_221 = vector.broadcast %parallel_loop3A_220 : i32 to vector<16xi32>
      %parallel_loop3A_222 = arith.addi %iota3A, %parallel_loop3A_221 : vector<16xi32>
      %parallel_loop3A_223 = arith.index_cast %parallel_loop3A_50 : i32 to index
      %parallel_loop3A_224 = arith.constant 0 : index
      %parallel_loop3A_225 = tpu.vector_load %arg7[%parallel_loop3A_223, %parallel_loop3A_224] masked %parallel_loop3A_214 {strides = array<i32>} : memref<256x16xi32, #tpu.memory_space<vmem>>, vector<16xi32>, vector<16xi1>
      tpu.vector_store %arg7[%parallel_loop3A_223, %parallel_loop3A_224], %parallel_loop3A_222 masked %parallel_loop3A_214 {strides = array<i32>} : memref<256x16xi32, #tpu.memory_space<vmem>>, vector<16xi32>, vector<16xi1>
    } {sc.loop_unroll_factor = 2 : i64, sc.parallel_access}
    %scan3A = arith.constant 0 : i32
    %scan3A_26 = arith.constant 0 : i32
    %scan3A_27 = arith.constant 256 : i32
    %scan3A_28 = arith.addi %scan3A_26, %scan3A_27 : i32
    %scan3A_29 = arith.constant 1 : i32
    %scan3A_30 = scf.for %scan3A_50 = %scan3A_26 to %scan3A_28 step %scan3A_29 iter_args(%scan3A_51 = %scan3A) -> (i32)  : i32 {
      %get3A = arith.index_cast %scan3A_50 : i32 to index
      %get3A_52 = arith.constant 0 : index
      %get3A_53 = tpu.vector_load %arg6[%get3A, %get3A_52] {strides = array<i32>} : memref<256x16xi32, #tpu.memory_space<vmem>>, vector<16xi32>,
      %slice3A = vector.extract_strided_slice %get3A_53 {offsets = [0], sizes = [1], strides = [1]} : vector<16xi32> to vector<1xi32>
      %squeeze3A = vector.extract %slice3A[0] : i32 from vector<1xi32>
      %get3A_54 = arith.index_cast %scan3A_50 : i32 to index
      %get3A_55 = arith.constant 0 : index
      %get3A_56 = tpu.vector_load %arg7[%get3A_54, %get3A_55] {strides = array<i32>} : memref<256x16xi32, #tpu.memory_space<vmem>>, vector<16xi32>,
      %lt3A = vector.broadcast %squeeze3A : i32 to vector<16xi32>
      %lt3A_57 = arith.cmpi slt, %iota3A, %lt3A : vector<16xi32>
      %swap3A = arith.index_cast %scan3A_51 : i32 to index
      %swap3A_58 = tpu.vector_load %arg8[%swap3A] masked %lt3A_57 {strides = array<i32>} : memref<4112xi32, #tpu.memory_space<vmem>>, vector<16xi32>, vector<16xi1>
      tpu.vector_store %arg8[%swap3A], %get3A_56 masked %lt3A_57 {strides = array<i32>} : memref<4112xi32, #tpu.memory_space<vmem>>, vector<16xi32>, vector<16xi1>
      %add3A_59 = arith.addi %scan3A_51, %squeeze3A : i32
      scf.yield %add3A_59 : i32
    }
    %scan3A_31 = arith.constant 256 : i32
    %add3A_32 = arith.constant 16 : i32
    %add3A_33 = arith.addi %scan3A_30, %add3A_32 : i32
    %sub3A = arith.constant 1 : i32
    %sub3A_34 = arith.subi %add3A_33, %sub3A : i32
    %shift_right_arithmetic3A = arith.constant 4 : i32
    %shift_right_arithmetic3A_35 = arith.shrsi %sub3A_34, %shift_right_arithmetic3A : i32
    %while3A = arith.constant 0 : i32
    %while3A_36 = arith.constant 0 : i32
    %while3A_37 = arith.subi %shift_right_arithmetic3A_35, %while3A_36 : i32
    %while3A_38 = arith.addi %while3A_36, %while3A_37 : i32
    %while3A_39 = arith.constant 1 : i32
    %while3A_40 = arith.divsi %while3A_37, %while3A_39 : i32
    %while3A_41 = arith.muli %while3A_40, %while3A_39 : i32
    %while3A_42 = arith.addi %while3A_36, %while3A_41 : i32
    %while3A_43 = arith.constant 1 : i32
    scf.for %while3A_50 = %while3A_36 to %while3A_42 step %while3A_43  : i32 {
      %mul3A_51 = arith.constant 16 : i32
      %mul3A_52 = arith.muli %while3A_50, %mul3A_51 : i32
      %get3A = arith.index_cast %mul3A_52 : i32 to index
      %get3A_53 = tpu.vector_load %arg8[%get3A] {strides = array<i32>} : memref<4112xi32, #tpu.memory_space<vmem>>, vector<16xi32>,
      %add3A_54 = vector.broadcast %mul3A_52 : i32 to vector<16xi32>
      %add3A_55 = arith.addi %iota3A, %add3A_54 : vector<16xi32>
      %lt3A = vector.broadcast %scan3A_30 : i32 to vector<16xi32>
      %lt3A_56 = arith.cmpi slt, %add3A_55, %lt3A : vector<16xi32>
      %select_n3A = arith.select %lt3A_56, %get3A_53, %broadcast_in_dim3A_3 : vector<16xi1>, vector<16xi32>
      %shift_right_arithmetic3A_57 = arith.constant 7 : i32
      %shift_right_arithmetic3A_58 = vector.broadcast %shift_right_arithmetic3A_57 : i32 to vector<16xi32>
      %shift_right_arithmetic3A_59 = arith.shrsi %select_n3A, %shift_right_arithmetic3A_58 : vector<16xi32>
      %and3A_60 = arith.constant 127 : i32
      %and3A_61 = vector.broadcast %and3A_60 : i32 to vector<16xi32>
      %and3A_62 = arith.andi %select_n3A, %and3A_61 : vector<16xi32>
      %mul3A_63 = arith.constant 4 : i32
      %mul3A_64 = vector.broadcast %mul3A_63 : i32 to vector<16xi32>
      %mul3A_65 = arith.muli %shift_right_arithmetic3A_59, %mul3A_64 : vector<16xi32>
      %add3A_66 = arith.constant 0 : i32
      %add3A_67 = vector.broadcast %add3A_66 : i32 to vector<16xi32>
      %add3A_68 = arith.addi %add3A_67, %mul3A_65 : vector<16xi32>
      %add3A_69 = arith.constant 0 : i32
      %add3A_70 = vector.broadcast %add3A_69 : i32 to vector<16xi32>
      %add3A_71 = arith.addi %add3A_68, %add3A_70 : vector<16xi32>
      %gather3A = tpu.vector_load_idx %arg4[%add3A_71, %and3A_62] : memref<256x128xf32, #tpu.memory_space<vmem>>[vector<16xi32>, vector<16xi32>], vector<16xf32>,
      %bitcast3A = vector.bitcast %gather3A : vector<16xf32> to vector<16xi32>
      %add3A_72 = arith.constant 32767 : i32
      %add3A_73 = vector.broadcast %add3A_72 : i32 to vector<16xi32>
      %add3A_74 = arith.addi %bitcast3A, %add3A_73 : vector<16xi32>
      %shift_right_arithmetic3A_75 = arith.constant 16 : i32
      %shift_right_arithmetic3A_76 = vector.broadcast %shift_right_arithmetic3A_75 : i32 to vector<16xi32>
      %shift_right_arithmetic3A_77 = arith.shrsi %bitcast3A, %shift_right_arithmetic3A_76 : vector<16xi32>
      %and3A_78 = arith.constant 1 : i32
      %and3A_79 = vector.broadcast %and3A_78 : i32 to vector<16xi32>
      %and3A_80 = arith.andi %shift_right_arithmetic3A_77, %and3A_79 : vector<16xi32>
      %add3A_81 = arith.addi %add3A_74, %and3A_80 : vector<16xi32>
      %and3A_82 = arith.constant -65536 : i32
      %and3A_83 = vector.broadcast %and3A_82 : i32 to vector<16xi32>
      %and3A_84 = arith.andi %add3A_81, %and3A_83 : vector<16xi32>
      %gt3A = arith.constant 1056964608 : i32
      %gt3A_85 = vector.broadcast %gt3A : i32 to vector<16xi32>
      %gt3A_86 = arith.cmpi sgt, %and3A_84, %gt3A_85 : vector<16xi32>
      %eq3A = arith.constant 1056964608 : i32
      %eq3A_87 = vector.broadcast %eq3A : i32 to vector<16xi32>
      %eq3A_88 = arith.cmpi eq, %and3A_84, %eq3A_87 : vector<16xi32>
      %select_n3A_89 = arith.select %gt3A_86, %broadcast_in_dim3A_9, %broadcast_in_dim3A_3 : vector<16xi1>, vector<16xi32>
      %or3A = arith.ori %broadcast_in_dim3A_3, %select_n3A_89 : vector<16xi32>
      %select_n3A_90 = arith.select %eq3A_88, %broadcast_in_dim3A_9, %broadcast_in_dim3A_3 : vector<16xi1>, vector<16xi32>
      %or3A_91 = arith.ori %broadcast_in_dim3A_3, %select_n3A_90 : vector<16xi32>
      %bitcast3A_92 = vector.bitcast %and3A_84 : vector<16xi32> to vector<16xf32>
      %select_n3A_93 = arith.select %gt3A_86, %bitcast3A_92, %broadcast_in_dim3A_5 : vector<16xi1>, vector<16xf32>
      %add3A_94 = arith.addf %broadcast_in_dim3A_5, %select_n3A_93 : vector<16xf32>
      %select_n3A_95 = arith.select %gt3A_86, %broadcast_in_dim3A_7, %broadcast_in_dim3A_5 : vector<16xi1>, vector<16xf32>
      %add3A_96 = arith.addf %broadcast_in_dim3A_5, %select_n3A_95 : vector<16xf32>
      %mul3A_97 = arith.mulf %gather3A, %gather3A : vector<16xf32>
      %mul3A_98 = arith.constant 4 : i32
      %mul3A_99 = vector.broadcast %mul3A_98 : i32 to vector<16xi32>
      %mul3A_100 = arith.muli %shift_right_arithmetic3A_59, %mul3A_99 : vector<16xi32>
      %add3A_101 = arith.constant 0 : i32
      %add3A_102 = vector.broadcast %add3A_101 : i32 to vector<16xi32>
      %add3A_103 = arith.addi %add3A_102, %mul3A_100 : vector<16xi32>
      %add3A_104 = arith.constant 1 : i32
      %add3A_105 = vector.broadcast %add3A_104 : i32 to vector<16xi32>
      %add3A_106 = arith.addi %add3A_103, %add3A_105 : vector<16xi32>
      %gather3A_107 = tpu.vector_load_idx %arg4[%add3A_106, %and3A_62] : memref<256x128xf32, #tpu.memory_space<vmem>>[vector<16xi32>, vector<16xi32>], vector<16xf32>,
      %bitcast3A_108 = vector.bitcast %gather3A_107 : vector<16xf32> to vector<16xi32>
      %add3A_109 = arith.constant 32767 : i32
      %add3A_110 = vector.broadcast %add3A_109 : i32 to vector<16xi32>
      %add3A_111 = arith.addi %bitcast3A_108, %add3A_110 : vector<16xi32>
      %shift_right_arithmetic3A_112 = arith.constant 16 : i32
      %shift_right_arithmetic3A_113 = vector.broadcast %shift_right_arithmetic3A_112 : i32 to vector<16xi32>
      %shift_right_arithmetic3A_114 = arith.shrsi %bitcast3A_108, %shift_right_arithmetic3A_113 : vector<16xi32>
      %and3A_115 = arith.constant 1 : i32
      %and3A_116 = vector.broadcast %and3A_115 : i32 to vector<16xi32>
      %and3A_117 = arith.andi %shift_right_arithmetic3A_114, %and3A_116 : vector<16xi32>
      %add3A_118 = arith.addi %add3A_111, %and3A_117 : vector<16xi32>
      %and3A_119 = arith.constant -65536 : i32
      %and3A_120 = vector.broadcast %and3A_119 : i32 to vector<16xi32>
      %and3A_121 = arith.andi %add3A_118, %and3A_120 : vector<16xi32>
      %gt3A_122 = arith.constant 1056964608 : i32
      %gt3A_123 = vector.broadcast %gt3A_122 : i32 to vector<16xi32>
      %gt3A_124 = arith.cmpi sgt, %and3A_121, %gt3A_123 : vector<16xi32>
      %eq3A_125 = arith.constant 1056964608 : i32
      %eq3A_126 = vector.broadcast %eq3A_125 : i32 to vector<16xi32>
      %eq3A_127 = arith.cmpi eq, %and3A_121, %eq3A_126 : vector<16xi32>
      %select_n3A_128 = arith.select %gt3A_124, %broadcast_in_dim3A_11, %broadcast_in_dim3A_3 : vector<16xi1>, vector<16xi32>
      %or3A_129 = arith.ori %or3A, %select_n3A_128 : vector<16xi32>
      %select_n3A_130 = arith.select %eq3A_127, %broadcast_in_dim3A_11, %broadcast_in_dim3A_3 : vector<16xi1>, vector<16xi32>
      %or3A_131 = arith.ori %or3A_91, %select_n3A_130 : vector<16xi32>
      %bitcast3A_132 = vector.bitcast %and3A_121 : vector<16xi32> to vector<16xf32>
      %select_n3A_133 = arith.select %gt3A_124, %bitcast3A_132, %broadcast_in_dim3A_5 : vector<16xi1>, vector<16xf32>
      %add3A_134 = arith.addf %add3A_94, %select_n3A_133 : vector<16xf32>
      %select_n3A_135 = arith.select %gt3A_124, %broadcast_in_dim3A_7, %broadcast_in_dim3A_5 : vector<16xi1>, vector<16xf32>
      %add3A_136 = arith.addf %add3A_96, %select_n3A_135 : vector<16xf32>
      %mul3A_137 = arith.mulf %gather3A_107, %gather3A_107 : vector<16xf32>
      %mul3A_138 = arith.constant 4 : i32
      %mul3A_139 = vector.broadcast %mul3A_138 : i32 to vector<16xi32>
      %mul3A_140 = arith.muli %shift_right_arithmetic3A_59, %mul3A_139 : vector<16xi32>
      %add3A_141 = arith.constant 0 : i32
      %add3A_142 = vector.broadcast %add3A_141 : i32 to vector<16xi32>
      %add3A_143 = arith.addi %add3A_142, %mul3A_140 : vector<16xi32>
      %add3A_144 = arith.constant 2 : i32
      %add3A_145 = vector.broadcast %add3A_144 : i32 to vector<16xi32>
      %add3A_146 = arith.addi %add3A_143, %add3A_145 : vector<16xi32>
      %gather3A_147 = tpu.vector_load_idx %arg4[%add3A_146, %and3A_62] : memref<256x128xf32, #tpu.memory_space<vmem>>[vector<16xi32>, vector<16xi32>], vector<16xf32>,
      %bitcast3A_148 = vector.bitcast %gather3A_147 : vector<16xf32> to vector<16xi32>
      %add3A_149 = arith.constant 32767 : i32
      %add3A_150 = vector.broadcast %add3A_149 : i32 to vector<16xi32>
      %add3A_151 = arith.addi %bitcast3A_148, %add3A_150 : vector<16xi32>
      %shift_right_arithmetic3A_152 = arith.constant 16 : i32
      %shift_right_arithmetic3A_153 = vector.broadcast %shift_right_arithmetic3A_152 : i32 to vector<16xi32>
      %shift_right_arithmetic3A_154 = arith.shrsi %bitcast3A_148, %shift_right_arithmetic3A_153 : vector<16xi32>
      %and3A_155 = arith.constant 1 : i32
      %and3A_156 = vector.broadcast %and3A_155 : i32 to vector<16xi32>
      %and3A_157 = arith.andi %shift_right_arithmetic3A_154, %and3A_156 : vector<16xi32>
      %add3A_158 = arith.addi %add3A_151, %and3A_157 : vector<16xi32>
      %and3A_159 = arith.constant -65536 : i32
      %and3A_160 = vector.broadcast %and3A_159 : i32 to vector<16xi32>
      %and3A_161 = arith.andi %add3A_158, %and3A_160 : vector<16xi32>
      %gt3A_162 = arith.constant 1056964608 : i32
      %gt3A_163 = vector.broadcast %gt3A_162 : i32 to vector<16xi32>
      %gt3A_164 = arith.cmpi sgt, %and3A_161, %gt3A_163 : vector<16xi32>
      %eq3A_165 = arith.constant 1056964608 : i32
      %eq3A_166 = vector.broadcast %eq3A_165 : i32 to vector<16xi32>
      %eq3A_167 = arith.cmpi eq, %and3A_161, %eq3A_166 : vector<16xi32>
      %select_n3A_168 = arith.select %gt3A_164, %broadcast_in_dim3A_13, %broadcast_in_dim3A_3 : vector<16xi1>, vector<16xi32>
      %or3A_169 = arith.ori %or3A_129, %select_n3A_168 : vector<16xi32>
      %select_n3A_170 = arith.select %eq3A_167, %broadcast_in_dim3A_13, %broadcast_in_dim3A_3 : vector<16xi1>, vector<16xi32>
      %or3A_171 = arith.ori %or3A_131, %select_n3A_170 : vector<16xi32>
      %bitcast3A_172 = vector.bitcast %and3A_161 : vector<16xi32> to vector<16xf32>
      %select_n3A_173 = arith.select %gt3A_164, %bitcast3A_172, %broadcast_in_dim3A_5 : vector<16xi1>, vector<16xf32>
      %add3A_174 = arith.addf %add3A_134, %select_n3A_173 : vector<16xf32>
      %select_n3A_175 = arith.select %gt3A_164, %broadcast_in_dim3A_7, %broadcast_in_dim3A_5 : vector<16xi1>, vector<16xf32>
      %add3A_176 = arith.addf %add3A_136, %select_n3A_175 : vector<16xf32>
      %mul3A_177 = arith.mulf %gather3A_147, %gather3A_147 : vector<16xf32>
      %mul3A_178 = arith.constant 4 : i32
      %mul3A_179 = vector.broadcast %mul3A_178 : i32 to vector<16xi32>
      %mul3A_180 = arith.muli %shift_right_arithmetic3A_59, %mul3A_179 : vector<16xi32>
      %add3A_181 = arith.constant 0 : i32
      %add3A_182 = vector.broadcast %add3A_181 : i32 to vector<16xi32>
      %add3A_183 = arith.addi %add3A_182, %mul3A_180 : vector<16xi32>
      %add3A_184 = arith.constant 3 : i32
      %add3A_185 = vector.broadcast %add3A_184 : i32 to vector<16xi32>
      %add3A_186 = arith.addi %add3A_183, %add3A_185 : vector<16xi32>
      %gather3A_187 = tpu.vector_load_idx %arg4[%add3A_186, %and3A_62] : memref<256x128xf32, #tpu.memory_space<vmem>>[vector<16xi32>, vector<16xi32>], vector<16xf32>,
      %bitcast3A_188 = vector.bitcast %gather3A_187 : vector<16xf32> to vector<16xi32>
      %add3A_189 = arith.constant 32767 : i32
      %add3A_190 = vector.broadcast %add3A_189 : i32 to vector<16xi32>
      %add3A_191 = arith.addi %bitcast3A_188, %add3A_190 : vector<16xi32>
      %shift_right_arithmetic3A_192 = arith.constant 16 : i32
      %shift_right_arithmetic3A_193 = vector.broadcast %shift_right_arithmetic3A_192 : i32 to vector<16xi32>
      %shift_right_arithmetic3A_194 = arith.shrsi %bitcast3A_188, %shift_right_arithmetic3A_193 : vector<16xi32>
      %and3A_195 = arith.constant 1 : i32
      %and3A_196 = vector.broadcast %and3A_195 : i32 to vector<16xi32>
      %and3A_197 = arith.andi %shift_right_arithmetic3A_194, %and3A_196 : vector<16xi32>
      %add3A_198 = arith.addi %add3A_191, %and3A_197 : vector<16xi32>
      %and3A_199 = arith.constant -65536 : i32
      %and3A_200 = vector.broadcast %and3A_199 : i32 to vector<16xi32>
      %and3A_201 = arith.andi %add3A_198, %and3A_200 : vector<16xi32>
      %gt3A_202 = arith.constant 1056964608 : i32
      %gt3A_203 = vector.broadcast %gt3A_202 : i32 to vector<16xi32>
      %gt3A_204 = arith.cmpi sgt, %and3A_201, %gt3A_203 : vector<16xi32>
      %eq3A_205 = arith.constant 1056964608 : i32
      %eq3A_206 = vector.broadcast %eq3A_205 : i32 to vector<16xi32>
      %eq3A_207 = arith.cmpi eq, %and3A_201, %eq3A_206 : vector<16xi32>
      %select_n3A_208 = arith.select %gt3A_204, %broadcast_in_dim3A_15, %broadcast_in_dim3A_3 : vector<16xi1>, vector<16xi32>
      %or3A_209 = arith.ori %or3A_169, %select_n3A_208 : vector<16xi32>
      %select_n3A_210 = arith.select %eq3A_207, %broadcast_in_dim3A_15, %broadcast_in_dim3A_3 : vector<16xi1>, vector<16xi32>
      %or3A_211 = arith.ori %or3A_171, %select_n3A_210 : vector<16xi32>
      %bitcast3A_212 = vector.bitcast %and3A_201 : vector<16xi32> to vector<16xf32>
      %select_n3A_213 = arith.select %gt3A_204, %bitcast3A_212, %broadcast_in_dim3A_5 : vector<16xi1>, vector<16xf32>
      %add3A_214 = arith.addf %add3A_174, %select_n3A_213 : vector<16xf32>
      %select_n3A_215 = arith.select %gt3A_204, %broadcast_in_dim3A_7, %broadcast_in_dim3A_5 : vector<16xi1>, vector<16xf32>
      %add3A_216 = arith.addf %add3A_176, %select_n3A_215 : vector<16xf32>
      %mul3A_217 = arith.mulf %gather3A_187, %gather3A_187 : vector<16xf32>
      %mul3A_218 = arith.constant 4 : i32
      %mul3A_219 = vector.broadcast %mul3A_218 : i32 to vector<16xi32>
      %mul3A_220 = arith.muli %shift_right_arithmetic3A_59, %mul3A_219 : vector<16xi32>
      %add3A_221 = arith.constant 128 : i32
      %add3A_222 = vector.broadcast %add3A_221 : i32 to vector<16xi32>
      %add3A_223 = arith.addi %add3A_222, %mul3A_220 : vector<16xi32>
      %add3A_224 = arith.constant 0 : i32
      %add3A_225 = vector.broadcast %add3A_224 : i32 to vector<16xi32>
      %add3A_226 = arith.addi %add3A_223, %add3A_225 : vector<16xi32>
      %gather3A_227 = tpu.vector_load_idx %arg4[%add3A_226, %and3A_62] : memref<256x128xf32, #tpu.memory_space<vmem>>[vector<16xi32>, vector<16xi32>], vector<16xf32>,
      %bitcast3A_228 = vector.bitcast %gather3A_227 : vector<16xf32> to vector<16xi32>
      %add3A_229 = arith.constant 32767 : i32
      %add3A_230 = vector.broadcast %add3A_229 : i32 to vector<16xi32>
      %add3A_231 = arith.addi %bitcast3A_228, %add3A_230 : vector<16xi32>
      %shift_right_arithmetic3A_232 = arith.constant 16 : i32
      %shift_right_arithmetic3A_233 = vector.broadcast %shift_right_arithmetic3A_232 : i32 to vector<16xi32>
      %shift_right_arithmetic3A_234 = arith.shrsi %bitcast3A_228, %shift_right_arithmetic3A_233 : vector<16xi32>
      %and3A_235 = arith.constant 1 : i32
      %and3A_236 = vector.broadcast %and3A_235 : i32 to vector<16xi32>
      %and3A_237 = arith.andi %shift_right_arithmetic3A_234, %and3A_236 : vector<16xi32>
      %add3A_238 = arith.addi %add3A_231, %and3A_237 : vector<16xi32>
      %and3A_239 = arith.constant -65536 : i32
      %and3A_240 = vector.broadcast %and3A_239 : i32 to vector<16xi32>
      %and3A_241 = arith.andi %add3A_238, %and3A_240 : vector<16xi32>
      %gt3A_242 = arith.constant 1056964608 : i32
      %gt3A_243 = vector.broadcast %gt3A_242 : i32 to vector<16xi32>
      %gt3A_244 = arith.cmpi sgt, %and3A_241, %gt3A_243 : vector<16xi32>
      %eq3A_245 = arith.constant 1056964608 : i32
      %eq3A_246 = vector.broadcast %eq3A_245 : i32 to vector<16xi32>
      %eq3A_247 = arith.cmpi eq, %and3A_241, %eq3A_246 : vector<16xi32>
      %select_n3A_248 = arith.select %gt3A_244, %broadcast_in_dim3A_17, %broadcast_in_dim3A_3 : vector<16xi1>, vector<16xi32>
      %or3A_249 = arith.ori %or3A_209, %select_n3A_248 : vector<16xi32>
      %select_n3A_250 = arith.select %eq3A_247, %broadcast_in_dim3A_17, %broadcast_in_dim3A_3 : vector<16xi1>, vector<16xi32>
      %or3A_251 = arith.ori %or3A_211, %select_n3A_250 : vector<16xi32>
      %bitcast3A_252 = vector.bitcast %and3A_241 : vector<16xi32> to vector<16xf32>
      %select_n3A_253 = arith.select %gt3A_244, %bitcast3A_252, %broadcast_in_dim3A_5 : vector<16xi1>, vector<16xf32>
      %add3A_254 = arith.addf %add3A_214, %select_n3A_253 : vector<16xf32>
      %select_n3A_255 = arith.select %gt3A_244, %broadcast_in_dim3A_7, %broadcast_in_dim3A_5 : vector<16xi1>, vector<16xf32>
      %add3A_256 = arith.addf %add3A_216, %select_n3A_255 : vector<16xf32>
      %mul3A_257 = arith.mulf %gather3A_227, %gather3A_227 : vector<16xf32>
      %mul3A_258 = arith.constant 4 : i32
      %mul3A_259 = vector.broadcast %mul3A_258 : i32 to vector<16xi32>
      %mul3A_260 = arith.muli %shift_right_arithmetic3A_59, %mul3A_259 : vector<16xi32>
      %add3A_261 = arith.constant 128 : i32
      %add3A_262 = vector.broadcast %add3A_261 : i32 to vector<16xi32>
      %add3A_263 = arith.addi %add3A_262, %mul3A_260 : vector<16xi32>
      %add3A_264 = arith.constant 1 : i32
      %add3A_265 = vector.broadcast %add3A_264 : i32 to vector<16xi32>
      %add3A_266 = arith.addi %add3A_263, %add3A_265 : vector<16xi32>
      %gather3A_267 = tpu.vector_load_idx %arg4[%add3A_266, %and3A_62] : memref<256x128xf32, #tpu.memory_space<vmem>>[vector<16xi32>, vector<16xi32>], vector<16xf32>,
      %bitcast3A_268 = vector.bitcast %gather3A_267 : vector<16xf32> to vector<16xi32>
      %add3A_269 = arith.constant 32767 : i32
      %add3A_270 = vector.broadcast %add3A_269 : i32 to vector<16xi32>
      %add3A_271 = arith.addi %bitcast3A_268, %add3A_270 : vector<16xi32>
      %shift_right_arithmetic3A_272 = arith.constant 16 : i32
      %shift_right_arithmetic3A_273 = vector.broadcast %shift_right_arithmetic3A_272 : i32 to vector<16xi32>
      %shift_right_arithmetic3A_274 = arith.shrsi %bitcast3A_268, %shift_right_arithmetic3A_273 : vector<16xi32>
      %and3A_275 = arith.constant 1 : i32
      %and3A_276 = vector.broadcast %and3A_275 : i32 to vector<16xi32>
      %and3A_277 = arith.andi %shift_right_arithmetic3A_274, %and3A_276 : vector<16xi32>
      %add3A_278 = arith.addi %add3A_271, %and3A_277 : vector<16xi32>
      %and3A_279 = arith.constant -65536 : i32
      %and3A_280 = vector.broadcast %and3A_279 : i32 to vector<16xi32>
      %and3A_281 = arith.andi %add3A_278, %and3A_280 : vector<16xi32>
      %gt3A_282 = arith.constant 1056964608 : i32
      %gt3A_283 = vector.broadcast %gt3A_282 : i32 to vector<16xi32>
      %gt3A_284 = arith.cmpi sgt, %and3A_281, %gt3A_283 : vector<16xi32>
      %eq3A_285 = arith.constant 1056964608 : i32
      %eq3A_286 = vector.broadcast %eq3A_285 : i32 to vector<16xi32>
      %eq3A_287 = arith.cmpi eq, %and3A_281, %eq3A_286 : vector<16xi32>
      %select_n3A_288 = arith.select %gt3A_284, %broadcast_in_dim3A_19, %broadcast_in_dim3A_3 : vector<16xi1>, vector<16xi32>
      %or3A_289 = arith.ori %or3A_249, %select_n3A_288 : vector<16xi32>
      %select_n3A_290 = arith.select %eq3A_287, %broadcast_in_dim3A_19, %broadcast_in_dim3A_3 : vector<16xi1>, vector<16xi32>
      %or3A_291 = arith.ori %or3A_251, %select_n3A_290 : vector<16xi32>
      %bitcast3A_292 = vector.bitcast %and3A_281 : vector<16xi32> to vector<16xf32>
      %select_n3A_293 = arith.select %gt3A_284, %bitcast3A_292, %broadcast_in_dim3A_5 : vector<16xi1>, vector<16xf32>
      %add3A_294 = arith.addf %add3A_254, %select_n3A_293 : vector<16xf32>
      %select_n3A_295 = arith.select %gt3A_284, %broadcast_in_dim3A_7, %broadcast_in_dim3A_5 : vector<16xi1>, vector<16xf32>
      %add3A_296 = arith.addf %add3A_256, %select_n3A_295 : vector<16xf32>
      %mul3A_297 = arith.mulf %gather3A_267, %gather3A_267 : vector<16xf32>
      %mul3A_298 = arith.constant 4 : i32
      %mul3A_299 = vector.broadcast %mul3A_298 : i32 to vector<16xi32>
      %mul3A_300 = arith.muli %shift_right_arithmetic3A_59, %mul3A_299 : vector<16xi32>
      %add3A_301 = arith.constant 128 : i32
      %add3A_302 = vector.broadcast %add3A_301 : i32 to vector<16xi32>
      %add3A_303 = arith.addi %add3A_302, %mul3A_300 : vector<16xi32>
      %add3A_304 = arith.constant 2 : i32
      %add3A_305 = vector.broadcast %add3A_304 : i32 to vector<16xi32>
      %add3A_306 = arith.addi %add3A_303, %add3A_305 : vector<16xi32>
      %gather3A_307 = tpu.vector_load_idx %arg4[%add3A_306, %and3A_62] : memref<256x128xf32, #tpu.memory_space<vmem>>[vector<16xi32>, vector<16xi32>], vector<16xf32>,
      %bitcast3A_308 = vector.bitcast %gather3A_307 : vector<16xf32> to vector<16xi32>
      %add3A_309 = arith.constant 32767 : i32
      %add3A_310 = vector.broadcast %add3A_309 : i32 to vector<16xi32>
      %add3A_311 = arith.addi %bitcast3A_308, %add3A_310 : vector<16xi32>
      %shift_right_arithmetic3A_312 = arith.constant 16 : i32
      %shift_right_arithmetic3A_313 = vector.broadcast %shift_right_arithmetic3A_312 : i32 to vector<16xi32>
      %shift_right_arithmetic3A_314 = arith.shrsi %bitcast3A_308, %shift_right_arithmetic3A_313 : vector<16xi32>
      %and3A_315 = arith.constant 1 : i32
      %and3A_316 = vector.broadcast %and3A_315 : i32 to vector<16xi32>
      %and3A_317 = arith.andi %shift_right_arithmetic3A_314, %and3A_316 : vector<16xi32>
      %add3A_318 = arith.addi %add3A_311, %and3A_317 : vector<16xi32>
      %and3A_319 = arith.constant -65536 : i32
      %and3A_320 = vector.broadcast %and3A_319 : i32 to vector<16xi32>
      %and3A_321 = arith.andi %add3A_318, %and3A_320 : vector<16xi32>
      %gt3A_322 = arith.constant 1056964608 : i32
      %gt3A_323 = vector.broadcast %gt3A_322 : i32 to vector<16xi32>
      %gt3A_324 = arith.cmpi sgt, %and3A_321, %gt3A_323 : vector<16xi32>
      %eq3A_325 = arith.constant 1056964608 : i32
      %eq3A_326 = vector.broadcast %eq3A_325 : i32 to vector<16xi32>
      %eq3A_327 = arith.cmpi eq, %and3A_321, %eq3A_326 : vector<16xi32>
      %select_n3A_328 = arith.select %gt3A_324, %broadcast_in_dim3A_21, %broadcast_in_dim3A_3 : vector<16xi1>, vector<16xi32>
      %or3A_329 = arith.ori %or3A_289, %select_n3A_328 : vector<16xi32>
      %select_n3A_330 = arith.select %eq3A_327, %broadcast_in_dim3A_21, %broadcast_in_dim3A_3 : vector<16xi1>, vector<16xi32>
      %or3A_331 = arith.ori %or3A_291, %select_n3A_330 : vector<16xi32>
      %bitcast3A_332 = vector.bitcast %and3A_321 : vector<16xi32> to vector<16xf32>
      %select_n3A_333 = arith.select %gt3A_324, %bitcast3A_332, %broadcast_in_dim3A_5 : vector<16xi1>, vector<16xf32>
      %add3A_334 = arith.addf %add3A_294, %select_n3A_333 : vector<16xf32>
      %select_n3A_335 = arith.select %gt3A_324, %broadcast_in_dim3A_7, %broadcast_in_dim3A_5 : vector<16xi1>, vector<16xf32>
      %add3A_336 = arith.addf %add3A_296, %select_n3A_335 : vector<16xf32>
      %mul3A_337 = arith.mulf %gather3A_307, %gather3A_307 : vector<16xf32>
      %mul3A_338 = arith.constant 4 : i32
      %mul3A_339 = vector.broadcast %mul3A_338 : i32 to vector<16xi32>
      %mul3A_340 = arith.muli %shift_right_arithmetic3A_59, %mul3A_339 : vector<16xi32>
      %add3A_341 = arith.constant 128 : i32
      %add3A_342 = vector.broadcast %add3A_341 : i32 to vector<16xi32>
      %add3A_343 = arith.addi %add3A_342, %mul3A_340 : vector<16xi32>
      %add3A_344 = arith.constant 3 : i32
      %add3A_345 = vector.broadcast %add3A_344 : i32 to vector<16xi32>
      %add3A_346 = arith.addi %add3A_343, %add3A_345 : vector<16xi32>
      %gather3A_347 = tpu.vector_load_idx %arg4[%add3A_346, %and3A_62] : memref<256x128xf32, #tpu.memory_space<vmem>>[vector<16xi32>, vector<16xi32>], vector<16xf32>,
      %bitcast3A_348 = vector.bitcast %gather3A_347 : vector<16xf32> to vector<16xi32>
      %add3A_349 = arith.constant 32767 : i32
      %add3A_350 = vector.broadcast %add3A_349 : i32 to vector<16xi32>
      %add3A_351 = arith.addi %bitcast3A_348, %add3A_350 : vector<16xi32>
      %shift_right_arithmetic3A_352 = arith.constant 16 : i32
      %shift_right_arithmetic3A_353 = vector.broadcast %shift_right_arithmetic3A_352 : i32 to vector<16xi32>
      %shift_right_arithmetic3A_354 = arith.shrsi %bitcast3A_348, %shift_right_arithmetic3A_353 : vector<16xi32>
      %and3A_355 = arith.constant 1 : i32
      %and3A_356 = vector.broadcast %and3A_355 : i32 to vector<16xi32>
      %and3A_357 = arith.andi %shift_right_arithmetic3A_354, %and3A_356 : vector<16xi32>
      %add3A_358 = arith.addi %add3A_351, %and3A_357 : vector<16xi32>
      %and3A_359 = arith.constant -65536 : i32
      %and3A_360 = vector.broadcast %and3A_359 : i32 to vector<16xi32>
      %and3A_361 = arith.andi %add3A_358, %and3A_360 : vector<16xi32>
      %gt3A_362 = arith.constant 1056964608 : i32
      %gt3A_363 = vector.broadcast %gt3A_362 : i32 to vector<16xi32>
      %gt3A_364 = arith.cmpi sgt, %and3A_361, %gt3A_363 : vector<16xi32>
      %eq3A_365 = arith.constant 1056964608 : i32
      %eq3A_366 = vector.broadcast %eq3A_365 : i32 to vector<16xi32>
      %eq3A_367 = arith.cmpi eq, %and3A_361, %eq3A_366 : vector<16xi32>
      %select_n3A_368 = arith.select %gt3A_364, %broadcast_in_dim3A_23, %broadcast_in_dim3A_3 : vector<16xi1>, vector<16xi32>
      %or3A_369 = arith.ori %or3A_329, %select_n3A_368 : vector<16xi32>
      %select_n3A_370 = arith.select %eq3A_367, %broadcast_in_dim3A_23, %broadcast_in_dim3A_3 : vector<16xi1>, vector<16xi32>
      %or3A_371 = arith.ori %or3A_331, %select_n3A_370 : vector<16xi32>
      %bitcast3A_372 = vector.bitcast %and3A_361 : vector<16xi32> to vector<16xf32>
      %select_n3A_373 = arith.select %gt3A_364, %bitcast3A_372, %broadcast_in_dim3A_5 : vector<16xi1>, vector<16xf32>
      %add3A_374 = arith.addf %add3A_334, %select_n3A_373 : vector<16xf32>
      %select_n3A_375 = arith.select %gt3A_364, %broadcast_in_dim3A_7, %broadcast_in_dim3A_5 : vector<16xi1>, vector<16xf32>
      %add3A_376 = arith.addf %add3A_336, %select_n3A_375 : vector<16xf32>
      %mul3A_377 = arith.mulf %gather3A_347, %gather3A_347 : vector<16xf32>
      %add3A_378 = arith.addf %mul3A_97, %mul3A_257 : vector<16xf32>
      %add3A_379 = arith.addf %mul3A_137, %mul3A_297 : vector<16xf32>
      %add3A_380 = arith.addf %mul3A_177, %mul3A_337 : vector<16xf32>
      %add3A_381 = arith.addf %mul3A_217, %mul3A_377 : vector<16xf32>
      %add3A_382 = arith.addf %add3A_378, %add3A_380 : vector<16xf32>
      %add3A_383 = arith.addf %add3A_379, %add3A_381 : vector<16xf32>
      %add3A_384 = arith.addf %add3A_382, %add3A_383 : vector<16xf32>
      %add3A_385 = arith.addf %add3A_374, %add3A_374 : vector<16xf32>
      %sub3A_386 = arith.subf %add3A_384, %add3A_385 : vector<16xf32>
      %add3A_387 = arith.addf %sub3A_386, %add3A_376 : vector<16xf32>
      %add3A_388 = arith.addf %add3A_385, %broadcast_in_dim3A_7 : vector<16xf32>
      %sub3A_389 = arith.subf %add3A_384, %add3A_388 : vector<16xf32>
      %add3A_390 = arith.addf %add3A_376, %broadcast_in_dim3A_7 : vector<16xf32>
      %add3A_391 = arith.addf %sub3A_389, %add3A_390 : vector<16xf32>
      %lt3A_392 = arith.cmpf olt, %add3A_391, %add3A_387 : vector<16xf32>
      %select_n3A_393 = arith.select %lt3A_392, %or3A_371, %broadcast_in_dim3A_3 : vector<16xi1>, vector<16xi32>
      %or3A_394 = arith.ori %or3A_369, %select_n3A_393 : vector<16xi32>
      tpu.vector_store_idx %arg5[%shift_right_arithmetic3A_59, %and3A_62], %or3A_394 masked %lt3A_56 : memref<32x128xi32, #tpu.memory_space<vmem>>[vector<16xi32>, vector<16xi32>], vector<16xi32>, vector<16xi1>
    }
    %while3A_44 = arith.constant 1 : i32
    scf.for %while3A_50 = %while3A_42 to %while3A_38 step %while3A_44  : i32 {
      %mul3A_51 = arith.constant 16 : i32
      %mul3A_52 = arith.muli %while3A_50, %mul3A_51 : i32
      %get3A = arith.index_cast %mul3A_52 : i32 to index
      %get3A_53 = tpu.vector_load %arg8[%get3A] {strides = array<i32>} : memref<4112xi32, #tpu.memory_space<vmem>>, vector<16xi32>,
      %add3A_54 = vector.broadcast %mul3A_52 : i32 to vector<16xi32>
      %add3A_55 = arith.addi %iota3A, %add3A_54 : vector<16xi32>
      %lt3A = vector.broadcast %scan3A_30 : i32 to vector<16xi32>
      %lt3A_56 = arith.cmpi slt, %add3A_55, %lt3A : vector<16xi32>
      %select_n3A = arith.select %lt3A_56, %get3A_53, %broadcast_in_dim3A_3 : vector<16xi1>, vector<16xi32>
      %shift_right_arithmetic3A_57 = arith.constant 7 : i32
      %shift_right_arithmetic3A_58 = vector.broadcast %shift_right_arithmetic3A_57 : i32 to vector<16xi32>
      %shift_right_arithmetic3A_59 = arith.shrsi %select_n3A, %shift_right_arithmetic3A_58 : vector<16xi32>
      %and3A_60 = arith.constant 127 : i32
      %and3A_61 = vector.broadcast %and3A_60 : i32 to vector<16xi32>
      %and3A_62 = arith.andi %select_n3A, %and3A_61 : vector<16xi32>
      %mul3A_63 = arith.constant 4 : i32
      %mul3A_64 = vector.broadcast %mul3A_63 : i32 to vector<16xi32>
      %mul3A_65 = arith.muli %shift_right_arithmetic3A_59, %mul3A_64 : vector<16xi32>
      %add3A_66 = arith.constant 0 : i32
      %add3A_67 = vector.broadcast %add3A_66 : i32 to vector<16xi32>
      %add3A_68 = arith.addi %add3A_67, %mul3A_65 : vector<16xi32>
      %add3A_69 = arith.constant 0 : i32
      %add3A_70 = vector.broadcast %add3A_69 : i32 to vector<16xi32>
      %add3A_71 = arith.addi %add3A_68, %add3A_70 : vector<16xi32>
      %gather3A = tpu.vector_load_idx %arg4[%add3A_71, %and3A_62] : memref<256x128xf32, #tpu.memory_space<vmem>>[vector<16xi32>, vector<16xi32>], vector<16xf32>,
      %bitcast3A = vector.bitcast %gather3A : vector<16xf32> to vector<16xi32>
      %add3A_72 = arith.constant 32767 : i32
      %add3A_73 = vector.broadcast %add3A_72 : i32 to vector<16xi32>
      %add3A_74 = arith.addi %bitcast3A, %add3A_73 : vector<16xi32>
      %shift_right_arithmetic3A_75 = arith.constant 16 : i32
      %shift_right_arithmetic3A_76 = vector.broadcast %shift_right_arithmetic3A_75 : i32 to vector<16xi32>
      %shift_right_arithmetic3A_77 = arith.shrsi %bitcast3A, %shift_right_arithmetic3A_76 : vector<16xi32>
      %and3A_78 = arith.constant 1 : i32
      %and3A_79 = vector.broadcast %and3A_78 : i32 to vector<16xi32>
      %and3A_80 = arith.andi %shift_right_arithmetic3A_77, %and3A_79 : vector<16xi32>
      %add3A_81 = arith.addi %add3A_74, %and3A_80 : vector<16xi32>
      %and3A_82 = arith.constant -65536 : i32
      %and3A_83 = vector.broadcast %and3A_82 : i32 to vector<16xi32>
      %and3A_84 = arith.andi %add3A_81, %and3A_83 : vector<16xi32>
      %gt3A = arith.constant 1056964608 : i32
      %gt3A_85 = vector.broadcast %gt3A : i32 to vector<16xi32>
      %gt3A_86 = arith.cmpi sgt, %and3A_84, %gt3A_85 : vector<16xi32>
      %eq3A = arith.constant 1056964608 : i32
      %eq3A_87 = vector.broadcast %eq3A : i32 to vector<16xi32>
      %eq3A_88 = arith.cmpi eq, %and3A_84, %eq3A_87 : vector<16xi32>
      %select_n3A_89 = arith.select %gt3A_86, %broadcast_in_dim3A_9, %broadcast_in_dim3A_3 : vector<16xi1>, vector<16xi32>
      %or3A = arith.ori %broadcast_in_dim3A_3, %select_n3A_89 : vector<16xi32>
      %select_n3A_90 = arith.select %eq3A_88, %broadcast_in_dim3A_9, %broadcast_in_dim3A_3 : vector<16xi1>, vector<16xi32>
      %or3A_91 = arith.ori %broadcast_in_dim3A_3, %select_n3A_90 : vector<16xi32>
      %bitcast3A_92 = vector.bitcast %and3A_84 : vector<16xi32> to vector<16xf32>
      %select_n3A_93 = arith.select %gt3A_86, %bitcast3A_92, %broadcast_in_dim3A_5 : vector<16xi1>, vector<16xf32>
      %add3A_94 = arith.addf %broadcast_in_dim3A_5, %select_n3A_93 : vector<16xf32>
      %select_n3A_95 = arith.select %gt3A_86, %broadcast_in_dim3A_7, %broadcast_in_dim3A_5 : vector<16xi1>, vector<16xf32>
      %add3A_96 = arith.addf %broadcast_in_dim3A_5, %select_n3A_95 : vector<16xf32>
      %mul3A_97 = arith.mulf %gather3A, %gather3A : vector<16xf32>
      %mul3A_98 = arith.constant 4 : i32
      %mul3A_99 = vector.broadcast %mul3A_98 : i32 to vector<16xi32>
      %mul3A_100 = arith.muli %shift_right_arithmetic3A_59, %mul3A_99 : vector<16xi32>
      %add3A_101 = arith.constant 0 : i32
      %add3A_102 = vector.broadcast %add3A_101 : i32 to vector<16xi32>
      %add3A_103 = arith.addi %add3A_102, %mul3A_100 : vector<16xi32>
      %add3A_104 = arith.constant 1 : i32
      %add3A_105 = vector.broadcast %add3A_104 : i32 to vector<16xi32>
      %add3A_106 = arith.addi %add3A_103, %add3A_105 : vector<16xi32>
      %gather3A_107 = tpu.vector_load_idx %arg4[%add3A_106, %and3A_62] : memref<256x128xf32, #tpu.memory_space<vmem>>[vector<16xi32>, vector<16xi32>], vector<16xf32>,
      %bitcast3A_108 = vector.bitcast %gather3A_107 : vector<16xf32> to vector<16xi32>
      %add3A_109 = arith.constant 32767 : i32
      %add3A_110 = vector.broadcast %add3A_109 : i32 to vector<16xi32>
      %add3A_111 = arith.addi %bitcast3A_108, %add3A_110 : vector<16xi32>
      %shift_right_arithmetic3A_112 = arith.constant 16 : i32
      %shift_right_arithmetic3A_113 = vector.broadcast %shift_right_arithmetic3A_112 : i32 to vector<16xi32>
      %shift_right_arithmetic3A_114 = arith.shrsi %bitcast3A_108, %shift_right_arithmetic3A_113 : vector<16xi32>
      %and3A_115 = arith.constant 1 : i32
      %and3A_116 = vector.broadcast %and3A_115 : i32 to vector<16xi32>
      %and3A_117 = arith.andi %shift_right_arithmetic3A_114, %and3A_116 : vector<16xi32>
      %add3A_118 = arith.addi %add3A_111, %and3A_117 : vector<16xi32>
      %and3A_119 = arith.constant -65536 : i32
      %and3A_120 = vector.broadcast %and3A_119 : i32 to vector<16xi32>
      %and3A_121 = arith.andi %add3A_118, %and3A_120 : vector<16xi32>
      %gt3A_122 = arith.constant 1056964608 : i32
      %gt3A_123 = vector.broadcast %gt3A_122 : i32 to vector<16xi32>
      %gt3A_124 = arith.cmpi sgt, %and3A_121, %gt3A_123 : vector<16xi32>
      %eq3A_125 = arith.constant 1056964608 : i32
      %eq3A_126 = vector.broadcast %eq3A_125 : i32 to vector<16xi32>
      %eq3A_127 = arith.cmpi eq, %and3A_121, %eq3A_126 : vector<16xi32>
      %select_n3A_128 = arith.select %gt3A_124, %broadcast_in_dim3A_11, %broadcast_in_dim3A_3 : vector<16xi1>, vector<16xi32>
      %or3A_129 = arith.ori %or3A, %select_n3A_128 : vector<16xi32>
      %select_n3A_130 = arith.select %eq3A_127, %broadcast_in_dim3A_11, %broadcast_in_dim3A_3 : vector<16xi1>, vector<16xi32>
      %or3A_131 = arith.ori %or3A_91, %select_n3A_130 : vector<16xi32>
      %bitcast3A_132 = vector.bitcast %and3A_121 : vector<16xi32> to vector<16xf32>
      %select_n3A_133 = arith.select %gt3A_124, %bitcast3A_132, %broadcast_in_dim3A_5 : vector<16xi1>, vector<16xf32>
      %add3A_134 = arith.addf %add3A_94, %select_n3A_133 : vector<16xf32>
      %select_n3A_135 = arith.select %gt3A_124, %broadcast_in_dim3A_7, %broadcast_in_dim3A_5 : vector<16xi1>, vector<16xf32>
      %add3A_136 = arith.addf %add3A_96, %select_n3A_135 : vector<16xf32>
      %mul3A_137 = arith.mulf %gather3A_107, %gather3A_107 : vector<16xf32>
      %mul3A_138 = arith.constant 4 : i32
      %mul3A_139 = vector.broadcast %mul3A_138 : i32 to vector<16xi32>
      %mul3A_140 = arith.muli %shift_right_arithmetic3A_59, %mul3A_139 : vector<16xi32>
      %add3A_141 = arith.constant 0 : i32
      %add3A_142 = vector.broadcast %add3A_141 : i32 to vector<16xi32>
      %add3A_143 = arith.addi %add3A_142, %mul3A_140 : vector<16xi32>
      %add3A_144 = arith.constant 2 : i32
      %add3A_145 = vector.broadcast %add3A_144 : i32 to vector<16xi32>
      %add3A_146 = arith.addi %add3A_143, %add3A_145 : vector<16xi32>
      %gather3A_147 = tpu.vector_load_idx %arg4[%add3A_146, %and3A_62] : memref<256x128xf32, #tpu.memory_space<vmem>>[vector<16xi32>, vector<16xi32>], vector<16xf32>,
      %bitcast3A_148 = vector.bitcast %gather3A_147 : vector<16xf32> to vector<16xi32>
      %add3A_149 = arith.constant 32767 : i32
      %add3A_150 = vector.broadcast %add3A_149 : i32 to vector<16xi32>
      %add3A_151 = arith.addi %bitcast3A_148, %add3A_150 : vector<16xi32>
      %shift_right_arithmetic3A_152 = arith.constant 16 : i32
      %shift_right_arithmetic3A_153 = vector.broadcast %shift_right_arithmetic3A_152 : i32 to vector<16xi32>
      %shift_right_arithmetic3A_154 = arith.shrsi %bitcast3A_148, %shift_right_arithmetic3A_153 : vector<16xi32>
      %and3A_155 = arith.constant 1 : i32
      %and3A_156 = vector.broadcast %and3A_155 : i32 to vector<16xi32>
      %and3A_157 = arith.andi %shift_right_arithmetic3A_154, %and3A_156 : vector<16xi32>
      %add3A_158 = arith.addi %add3A_151, %and3A_157 : vector<16xi32>
      %and3A_159 = arith.constant -65536 : i32
      %and3A_160 = vector.broadcast %and3A_159 : i32 to vector<16xi32>
      %and3A_161 = arith.andi %add3A_158, %and3A_160 : vector<16xi32>
      %gt3A_162 = arith.constant 1056964608 : i32
      %gt3A_163 = vector.broadcast %gt3A_162 : i32 to vector<16xi32>
      %gt3A_164 = arith.cmpi sgt, %and3A_161, %gt3A_163 : vector<16xi32>
      %eq3A_165 = arith.constant 1056964608 : i32
      %eq3A_166 = vector.broadcast %eq3A_165 : i32 to vector<16xi32>
      %eq3A_167 = arith.cmpi eq, %and3A_161, %eq3A_166 : vector<16xi32>
      %select_n3A_168 = arith.select %gt3A_164, %broadcast_in_dim3A_13, %broadcast_in_dim3A_3 : vector<16xi1>, vector<16xi32>
      %or3A_169 = arith.ori %or3A_129, %select_n3A_168 : vector<16xi32>
      %select_n3A_170 = arith.select %eq3A_167, %broadcast_in_dim3A_13, %broadcast_in_dim3A_3 : vector<16xi1>, vector<16xi32>
      %or3A_171 = arith.ori %or3A_131, %select_n3A_170 : vector<16xi32>
      %bitcast3A_172 = vector.bitcast %and3A_161 : vector<16xi32> to vector<16xf32>
      %select_n3A_173 = arith.select %gt3A_164, %bitcast3A_172, %broadcast_in_dim3A_5 : vector<16xi1>, vector<16xf32>
      %add3A_174 = arith.addf %add3A_134, %select_n3A_173 : vector<16xf32>
      %select_n3A_175 = arith.select %gt3A_164, %broadcast_in_dim3A_7, %broadcast_in_dim3A_5 : vector<16xi1>, vector<16xf32>
      %add3A_176 = arith.addf %add3A_136, %select_n3A_175 : vector<16xf32>
      %mul3A_177 = arith.mulf %gather3A_147, %gather3A_147 : vector<16xf32>
      %mul3A_178 = arith.constant 4 : i32
      %mul3A_179 = vector.broadcast %mul3A_178 : i32 to vector<16xi32>
      %mul3A_180 = arith.muli %shift_right_arithmetic3A_59, %mul3A_179 : vector<16xi32>
      %add3A_181 = arith.constant 0 : i32
      %add3A_182 = vector.broadcast %add3A_181 : i32 to vector<16xi32>
      %add3A_183 = arith.addi %add3A_182, %mul3A_180 : vector<16xi32>
      %add3A_184 = arith.constant 3 : i32
      %add3A_185 = vector.broadcast %add3A_184 : i32 to vector<16xi32>
      %add3A_186 = arith.addi %add3A_183, %add3A_185 : vector<16xi32>
      %gather3A_187 = tpu.vector_load_idx %arg4[%add3A_186, %and3A_62] : memref<256x128xf32, #tpu.memory_space<vmem>>[vector<16xi32>, vector<16xi32>], vector<16xf32>,
      %bitcast3A_188 = vector.bitcast %gather3A_187 : vector<16xf32> to vector<16xi32>
      %add3A_189 = arith.constant 32767 : i32
      %add3A_190 = vector.broadcast %add3A_189 : i32 to vector<16xi32>
      %add3A_191 = arith.addi %bitcast3A_188, %add3A_190 : vector<16xi32>
      %shift_right_arithmetic3A_192 = arith.constant 16 : i32
      %shift_right_arithmetic3A_193 = vector.broadcast %shift_right_arithmetic3A_192 : i32 to vector<16xi32>
      %shift_right_arithmetic3A_194 = arith.shrsi %bitcast3A_188, %shift_right_arithmetic3A_193 : vector<16xi32>
      %and3A_195 = arith.constant 1 : i32
      %and3A_196 = vector.broadcast %and3A_195 : i32 to vector<16xi32>
      %and3A_197 = arith.andi %shift_right_arithmetic3A_194, %and3A_196 : vector<16xi32>
      %add3A_198 = arith.addi %add3A_191, %and3A_197 : vector<16xi32>
      %and3A_199 = arith.constant -65536 : i32
      %and3A_200 = vector.broadcast %and3A_199 : i32 to vector<16xi32>
      %and3A_201 = arith.andi %add3A_198, %and3A_200 : vector<16xi32>
      %gt3A_202 = arith.constant 1056964608 : i32
      %gt3A_203 = vector.broadcast %gt3A_202 : i32 to vector<16xi32>
      %gt3A_204 = arith.cmpi sgt, %and3A_201, %gt3A_203 : vector<16xi32>
      %eq3A_205 = arith.constant 1056964608 : i32
      %eq3A_206 = vector.broadcast %eq3A_205 : i32 to vector<16xi32>
      %eq3A_207 = arith.cmpi eq, %and3A_201, %eq3A_206 : vector<16xi32>
      %select_n3A_208 = arith.select %gt3A_204, %broadcast_in_dim3A_15, %broadcast_in_dim3A_3 : vector<16xi1>, vector<16xi32>
      %or3A_209 = arith.ori %or3A_169, %select_n3A_208 : vector<16xi32>
      %select_n3A_210 = arith.select %eq3A_207, %broadcast_in_dim3A_15, %broadcast_in_dim3A_3 : vector<16xi1>, vector<16xi32>
      %or3A_211 = arith.ori %or3A_171, %select_n3A_210 : vector<16xi32>
      %bitcast3A_212 = vector.bitcast %and3A_201 : vector<16xi32> to vector<16xf32>
      %select_n3A_213 = arith.select %gt3A_204, %bitcast3A_212, %broadcast_in_dim3A_5 : vector<16xi1>, vector<16xf32>
      %add3A_214 = arith.addf %add3A_174, %select_n3A_213 : vector<16xf32>
      %select_n3A_215 = arith.select %gt3A_204, %broadcast_in_dim3A_7, %broadcast_in_dim3A_5 : vector<16xi1>, vector<16xf32>
      %add3A_216 = arith.addf %add3A_176, %select_n3A_215 : vector<16xf32>
      %mul3A_217 = arith.mulf %gather3A_187, %gather3A_187 : vector<16xf32>
      %mul3A_218 = arith.constant 4 : i32
      %mul3A_219 = vector.broadcast %mul3A_218 : i32 to vector<16xi32>
      %mul3A_220 = arith.muli %shift_right_arithmetic3A_59, %mul3A_219 : vector<16xi32>
      %add3A_221 = arith.constant 128 : i32
      %add3A_222 = vector.broadcast %add3A_221 : i32 to vector<16xi32>
      %add3A_223 = arith.addi %add3A_222, %mul3A_220 : vector<16xi32>
      %add3A_224 = arith.constant 0 : i32
      %add3A_225 = vector.broadcast %add3A_224 : i32 to vector<16xi32>
      %add3A_226 = arith.addi %add3A_223, %add3A_225 : vector<16xi32>
      %gather3A_227 = tpu.vector_load_idx %arg4[%add3A_226, %and3A_62] : memref<256x128xf32, #tpu.memory_space<vmem>>[vector<16xi32>, vector<16xi32>], vector<16xf32>,
      %bitcast3A_228 = vector.bitcast %gather3A_227 : vector<16xf32> to vector<16xi32>
      %add3A_229 = arith.constant 32767 : i32
      %add3A_230 = vector.broadcast %add3A_229 : i32 to vector<16xi32>
      %add3A_231 = arith.addi %bitcast3A_228, %add3A_230 : vector<16xi32>
      %shift_right_arithmetic3A_232 = arith.constant 16 : i32
      %shift_right_arithmetic3A_233 = vector.broadcast %shift_right_arithmetic3A_232 : i32 to vector<16xi32>
      %shift_right_arithmetic3A_234 = arith.shrsi %bitcast3A_228, %shift_right_arithmetic3A_233 : vector<16xi32>
      %and3A_235 = arith.constant 1 : i32
      %and3A_236 = vector.broadcast %and3A_235 : i32 to vector<16xi32>
      %and3A_237 = arith.andi %shift_right_arithmetic3A_234, %and3A_236 : vector<16xi32>
      %add3A_238 = arith.addi %add3A_231, %and3A_237 : vector<16xi32>
      %and3A_239 = arith.constant -65536 : i32
      %and3A_240 = vector.broadcast %and3A_239 : i32 to vector<16xi32>
      %and3A_241 = arith.andi %add3A_238, %and3A_240 : vector<16xi32>
      %gt3A_242 = arith.constant 1056964608 : i32
      %gt3A_243 = vector.broadcast %gt3A_242 : i32 to vector<16xi32>
      %gt3A_244 = arith.cmpi sgt, %and3A_241, %gt3A_243 : vector<16xi32>
      %eq3A_245 = arith.constant 1056964608 : i32
      %eq3A_246 = vector.broadcast %eq3A_245 : i32 to vector<16xi32>
      %eq3A_247 = arith.cmpi eq, %and3A_241, %eq3A_246 : vector<16xi32>
      %select_n3A_248 = arith.select %gt3A_244, %broadcast_in_dim3A_17, %broadcast_in_dim3A_3 : vector<16xi1>, vector<16xi32>
      %or3A_249 = arith.ori %or3A_209, %select_n3A_248 : vector<16xi32>
      %select_n3A_250 = arith.select %eq3A_247, %broadcast_in_dim3A_17, %broadcast_in_dim3A_3 : vector<16xi1>, vector<16xi32>
      %or3A_251 = arith.ori %or3A_211, %select_n3A_250 : vector<16xi32>
      %bitcast3A_252 = vector.bitcast %and3A_241 : vector<16xi32> to vector<16xf32>
      %select_n3A_253 = arith.select %gt3A_244, %bitcast3A_252, %broadcast_in_dim3A_5 : vector<16xi1>, vector<16xf32>
      %add3A_254 = arith.addf %add3A_214, %select_n3A_253 : vector<16xf32>
      %select_n3A_255 = arith.select %gt3A_244, %broadcast_in_dim3A_7, %broadcast_in_dim3A_5 : vector<16xi1>, vector<16xf32>
      %add3A_256 = arith.addf %add3A_216, %select_n3A_255 : vector<16xf32>
      %mul3A_257 = arith.mulf %gather3A_227, %gather3A_227 : vector<16xf32>
      %mul3A_258 = arith.constant 4 : i32
      %mul3A_259 = vector.broadcast %mul3A_258 : i32 to vector<16xi32>
      %mul3A_260 = arith.muli %shift_right_arithmetic3A_59, %mul3A_259 : vector<16xi32>
      %add3A_261 = arith.constant 128 : i32
      %add3A_262 = vector.broadcast %add3A_261 : i32 to vector<16xi32>
      %add3A_263 = arith.addi %add3A_262, %mul3A_260 : vector<16xi32>
      %add3A_264 = arith.constant 1 : i32
      %add3A_265 = vector.broadcast %add3A_264 : i32 to vector<16xi32>
      %add3A_266 = arith.addi %add3A_263, %add3A_265 : vector<16xi32>
      %gather3A_267 = tpu.vector_load_idx %arg4[%add3A_266, %and3A_62] : memref<256x128xf32, #tpu.memory_space<vmem>>[vector<16xi32>, vector<16xi32>], vector<16xf32>,
      %bitcast3A_268 = vector.bitcast %gather3A_267 : vector<16xf32> to vector<16xi32>
      %add3A_269 = arith.constant 32767 : i32
      %add3A_270 = vector.broadcast %add3A_269 : i32 to vector<16xi32>
      %add3A_271 = arith.addi %bitcast3A_268, %add3A_270 : vector<16xi32>
      %shift_right_arithmetic3A_272 = arith.constant 16 : i32
      %shift_right_arithmetic3A_273 = vector.broadcast %shift_right_arithmetic3A_272 : i32 to vector<16xi32>
      %shift_right_arithmetic3A_274 = arith.shrsi %bitcast3A_268, %shift_right_arithmetic3A_273 : vector<16xi32>
      %and3A_275 = arith.constant 1 : i32
      %and3A_276 = vector.broadcast %and3A_275 : i32 to vector<16xi32>
      %and3A_277 = arith.andi %shift_right_arithmetic3A_274, %and3A_276 : vector<16xi32>
      %add3A_278 = arith.addi %add3A_271, %and3A_277 : vector<16xi32>
      %and3A_279 = arith.constant -65536 : i32
      %and3A_280 = vector.broadcast %and3A_279 : i32 to vector<16xi32>
      %and3A_281 = arith.andi %add3A_278, %and3A_280 : vector<16xi32>
      %gt3A_282 = arith.constant 1056964608 : i32
      %gt3A_283 = vector.broadcast %gt3A_282 : i32 to vector<16xi32>
      %gt3A_284 = arith.cmpi sgt, %and3A_281, %gt3A_283 : vector<16xi32>
      %eq3A_285 = arith.constant 1056964608 : i32
      %eq3A_286 = vector.broadcast %eq3A_285 : i32 to vector<16xi32>
      %eq3A_287 = arith.cmpi eq, %and3A_281, %eq3A_286 : vector<16xi32>
      %select_n3A_288 = arith.select %gt3A_284, %broadcast_in_dim3A_19, %broadcast_in_dim3A_3 : vector<16xi1>, vector<16xi32>
      %or3A_289 = arith.ori %or3A_249, %select_n3A_288 : vector<16xi32>
      %select_n3A_290 = arith.select %eq3A_287, %broadcast_in_dim3A_19, %broadcast_in_dim3A_3 : vector<16xi1>, vector<16xi32>
      %or3A_291 = arith.ori %or3A_251, %select_n3A_290 : vector<16xi32>
      %bitcast3A_292 = vector.bitcast %and3A_281 : vector<16xi32> to vector<16xf32>
      %select_n3A_293 = arith.select %gt3A_284, %bitcast3A_292, %broadcast_in_dim3A_5 : vector<16xi1>, vector<16xf32>
      %add3A_294 = arith.addf %add3A_254, %select_n3A_293 : vector<16xf32>
      %select_n3A_295 = arith.select %gt3A_284, %broadcast_in_dim3A_7, %broadcast_in_dim3A_5 : vector<16xi1>, vector<16xf32>
      %add3A_296 = arith.addf %add3A_256, %select_n3A_295 : vector<16xf32>
      %mul3A_297 = arith.mulf %gather3A_267, %gather3A_267 : vector<16xf32>
      %mul3A_298 = arith.constant 4 : i32
      %mul3A_299 = vector.broadcast %mul3A_298 : i32 to vector<16xi32>
      %mul3A_300 = arith.muli %shift_right_arithmetic3A_59, %mul3A_299 : vector<16xi32>
      %add3A_301 = arith.constant 128 : i32
      %add3A_302 = vector.broadcast %add3A_301 : i32 to vector<16xi32>
      %add3A_303 = arith.addi %add3A_302, %mul3A_300 : vector<16xi32>
      %add3A_304 = arith.constant 2 : i32
      %add3A_305 = vector.broadcast %add3A_304 : i32 to vector<16xi32>
      %add3A_306 = arith.addi %add3A_303, %add3A_305 : vector<16xi32>
      %gather3A_307 = tpu.vector_load_idx %arg4[%add3A_306, %and3A_62] : memref<256x128xf32, #tpu.memory_space<vmem>>[vector<16xi32>, vector<16xi32>], vector<16xf32>,
      %bitcast3A_308 = vector.bitcast %gather3A_307 : vector<16xf32> to vector<16xi32>
      %add3A_309 = arith.constant 32767 : i32
      %add3A_310 = vector.broadcast %add3A_309 : i32 to vector<16xi32>
      %add3A_311 = arith.addi %bitcast3A_308, %add3A_310 : vector<16xi32>
      %shift_right_arithmetic3A_312 = arith.constant 16 : i32
      %shift_right_arithmetic3A_313 = vector.broadcast %shift_right_arithmetic3A_312 : i32 to vector<16xi32>
      %shift_right_arithmetic3A_314 = arith.shrsi %bitcast3A_308, %shift_right_arithmetic3A_313 : vector<16xi32>
      %and3A_315 = arith.constant 1 : i32
      %and3A_316 = vector.broadcast %and3A_315 : i32 to vector<16xi32>
      %and3A_317 = arith.andi %shift_right_arithmetic3A_314, %and3A_316 : vector<16xi32>
      %add3A_318 = arith.addi %add3A_311, %and3A_317 : vector<16xi32>
      %and3A_319 = arith.constant -65536 : i32
      %and3A_320 = vector.broadcast %and3A_319 : i32 to vector<16xi32>
      %and3A_321 = arith.andi %add3A_318, %and3A_320 : vector<16xi32>
      %gt3A_322 = arith.constant 1056964608 : i32
      %gt3A_323 = vector.broadcast %gt3A_322 : i32 to vector<16xi32>
      %gt3A_324 = arith.cmpi sgt, %and3A_321, %gt3A_323 : vector<16xi32>
      %eq3A_325 = arith.constant 1056964608 : i32
      %eq3A_326 = vector.broadcast %eq3A_325 : i32 to vector<16xi32>
      %eq3A_327 = arith.cmpi eq, %and3A_321, %eq3A_326 : vector<16xi32>
      %select_n3A_328 = arith.select %gt3A_324, %broadcast_in_dim3A_21, %broadcast_in_dim3A_3 : vector<16xi1>, vector<16xi32>
      %or3A_329 = arith.ori %or3A_289, %select_n3A_328 : vector<16xi32>
      %select_n3A_330 = arith.select %eq3A_327, %broadcast_in_dim3A_21, %broadcast_in_dim3A_3 : vector<16xi1>, vector<16xi32>
      %or3A_331 = arith.ori %or3A_291, %select_n3A_330 : vector<16xi32>
      %bitcast3A_332 = vector.bitcast %and3A_321 : vector<16xi32> to vector<16xf32>
      %select_n3A_333 = arith.select %gt3A_324, %bitcast3A_332, %broadcast_in_dim3A_5 : vector<16xi1>, vector<16xf32>
      %add3A_334 = arith.addf %add3A_294, %select_n3A_333 : vector<16xf32>
      %select_n3A_335 = arith.select %gt3A_324, %broadcast_in_dim3A_7, %broadcast_in_dim3A_5 : vector<16xi1>, vector<16xf32>
      %add3A_336 = arith.addf %add3A_296, %select_n3A_335 : vector<16xf32>
      %mul3A_337 = arith.mulf %gather3A_307, %gather3A_307 : vector<16xf32>
      %mul3A_338 = arith.constant 4 : i32
      %mul3A_339 = vector.broadcast %mul3A_338 : i32 to vector<16xi32>
      %mul3A_340 = arith.muli %shift_right_arithmetic3A_59, %mul3A_339 : vector<16xi32>
      %add3A_341 = arith.constant 128 : i32
      %add3A_342 = vector.broadcast %add3A_341 : i32 to vector<16xi32>
      %add3A_343 = arith.addi %add3A_342, %mul3A_340 : vector<16xi32>
      %add3A_344 = arith.constant 3 : i32
      %add3A_345 = vector.broadcast %add3A_344 : i32 to vector<16xi32>
      %add3A_346 = arith.addi %add3A_343, %add3A_345 : vector<16xi32>
      %gather3A_347 = tpu.vector_load_idx %arg4[%add3A_346, %and3A_62] : memref<256x128xf32, #tpu.memory_space<vmem>>[vector<16xi32>, vector<16xi32>], vector<16xf32>,
      %bitcast3A_348 = vector.bitcast %gather3A_347 : vector<16xf32> to vector<16xi32>
      %add3A_349 = arith.constant 32767 : i32
      %add3A_350 = vector.broadcast %add3A_349 : i32 to vector<16xi32>
      %add3A_351 = arith.addi %bitcast3A_348, %add3A_350 : vector<16xi32>
      %shift_right_arithmetic3A_352 = arith.constant 16 : i32
      %shift_right_arithmetic3A_353 = vector.broadcast %shift_right_arithmetic3A_352 : i32 to vector<16xi32>
      %shift_right_arithmetic3A_354 = arith.shrsi %bitcast3A_348, %shift_right_arithmetic3A_353 : vector<16xi32>
      %and3A_355 = arith.constant 1 : i32
      %and3A_356 = vector.broadcast %and3A_355 : i32 to vector<16xi32>
      %and3A_357 = arith.andi %shift_right_arithmetic3A_354, %and3A_356 : vector<16xi32>
      %add3A_358 = arith.addi %add3A_351, %and3A_357 : vector<16xi32>
      %and3A_359 = arith.constant -65536 : i32
      %and3A_360 = vector.broadcast %and3A_359 : i32 to vector<16xi32>
      %and3A_361 = arith.andi %add3A_358, %and3A_360 : vector<16xi32>
      %gt3A_362 = arith.constant 1056964608 : i32
      %gt3A_363 = vector.broadcast %gt3A_362 : i32 to vector<16xi32>
      %gt3A_364 = arith.cmpi sgt, %and3A_361, %gt3A_363 : vector<16xi32>
      %eq3A_365 = arith.constant 1056964608 : i32
      %eq3A_366 = vector.broadcast %eq3A_365 : i32 to vector<16xi32>
      %eq3A_367 = arith.cmpi eq, %and3A_361, %eq3A_366 : vector<16xi32>
      %select_n3A_368 = arith.select %gt3A_364, %broadcast_in_dim3A_23, %broadcast_in_dim3A_3 : vector<16xi1>, vector<16xi32>
      %or3A_369 = arith.ori %or3A_329, %select_n3A_368 : vector<16xi32>
      %select_n3A_370 = arith.select %eq3A_367, %broadcast_in_dim3A_23, %broadcast_in_dim3A_3 : vector<16xi1>, vector<16xi32>
      %or3A_371 = arith.ori %or3A_331, %select_n3A_370 : vector<16xi32>
      %bitcast3A_372 = vector.bitcast %and3A_361 : vector<16xi32> to vector<16xf32>
      %select_n3A_373 = arith.select %gt3A_364, %bitcast3A_372, %broadcast_in_dim3A_5 : vector<16xi1>, vector<16xf32>
      %add3A_374 = arith.addf %add3A_334, %select_n3A_373 : vector<16xf32>
      %select_n3A_375 = arith.select %gt3A_364, %broadcast_in_dim3A_7, %broadcast_in_dim3A_5 : vector<16xi1>, vector<16xf32>
      %add3A_376 = arith.addf %add3A_336, %select_n3A_375 : vector<16xf32>
      %mul3A_377 = arith.mulf %gather3A_347, %gather3A_347 : vector<16xf32>
      %add3A_378 = arith.addf %mul3A_97, %mul3A_257 : vector<16xf32>
      %add3A_379 = arith.addf %mul3A_137, %mul3A_297 : vector<16xf32>
      %add3A_380 = arith.addf %mul3A_177, %mul3A_337 : vector<16xf32>
      %add3A_381 = arith.addf %mul3A_217, %mul3A_377 : vector<16xf32>
      %add3A_382 = arith.addf %add3A_378, %add3A_380 : vector<16xf32>
      %add3A_383 = arith.addf %add3A_379, %add3A_381 : vector<16xf32>
      %add3A_384 = arith.addf %add3A_382, %add3A_383 : vector<16xf32>
      %add3A_385 = arith.addf %add3A_374, %add3A_374 : vector<16xf32>
      %sub3A_386 = arith.subf %add3A_384, %add3A_385 : vector<16xf32>
      %add3A_387 = arith.addf %sub3A_386, %add3A_376 : vector<16xf32>
      %add3A_388 = arith.addf %add3A_385, %broadcast_in_dim3A_7 : vector<16xf32>
      %sub3A_389 = arith.subf %add3A_384, %add3A_388 : vector<16xf32>
      %add3A_390 = arith.addf %add3A_376, %broadcast_in_dim3A_7 : vector<16xf32>
      %add3A_391 = arith.addf %sub3A_389, %add3A_390 : vector<16xf32>
      %lt3A_392 = arith.cmpf olt, %add3A_391, %add3A_387 : vector<16xf32>
      %select_n3A_393 = arith.select %lt3A_392, %or3A_371, %broadcast_in_dim3A_3 : vector<16xi1>, vector<16xi32>
      %or3A_394 = arith.ori %or3A_369, %select_n3A_393 : vector<16xi32>
      tpu.vector_store_idx %arg5[%shift_right_arithmetic3A_59, %and3A_62], %or3A_394 masked %lt3A_56 : memref<32x128xi32, #tpu.memory_space<vmem>>[vector<16xi32>, vector<16xi32>], vector<16xi32>, vector<16xi1>
    }
    %shift_right_arithmetic3A_45 = arith.constant 3 : i32
    %shift_right_arithmetic3A_46 = arith.shrsi %add3A, %shift_right_arithmetic3A_45 : i32
    %mul3A_47 = arith.constant 32 : i32
    %mul3A_48 = arith.muli %shift_right_arithmetic3A_46, %mul3A_47 : i32
    %and3A = arith.constant 7 : i32
    %and3A_49 = arith.andi %add3A, %and3A : i32
    "tpu.region"() ({
      %run_scoped3A = tpu.sem_alloc : memref<!tpu.dma_semaphore, #tpu.memory_space<semaphore_mem>>
      %dma_start3A = arith.constant 0 : i32
      %dma_start3A_50 = tpu.memref_slice %arg3[%mul3A_48, %and3A_49, %dma_start3A] : memref<128x8x128xi32, #tpu.memory_space<hbm>> -> memref<32x1x128xi32, #tpu.memory_space<hbm>>
      %dma_start3A_51 = tpu.memref_squeeze %dma_start3A_50 : memref<32x1x128xi32, #tpu.memory_space<hbm>> -> memref<32x128xi32, #tpu.memory_space<hbm>>
      %dma_start3A_52 = arith.constant 0 : i32
      %dma_start3A_53 = tpu.memref_slice %arg3[%mul3A_48, %and3A_49, %dma_start3A_52] : memref<128x8x128xi32, #tpu.memory_space<hbm>> -> memref<32x1x128xi32, #tpu.memory_space<hbm>>
      %dma_start3A_54 = tpu.memref_squeeze %dma_start3A_53 : memref<32x1x128xi32, #tpu.memory_space<hbm>> -> memref<32x128xi32, #tpu.memory_space<hbm>>
      tpu.enqueue_dma source(%arg5 : memref<32x128xi32, #tpu.memory_space<vmem>>) target(%dma_start3A_54 : memref<32x128xi32, #tpu.memory_space<hbm>>) target_semaphore(%run_scoped3A : memref<!tpu.dma_semaphore, #tpu.memory_space<semaphore_mem>>)
      %dma_wait3A = arith.constant 0 : i32
      %dma_wait3A_55 = tpu.memref_slice %arg3[%mul3A_48, %and3A_49, %dma_wait3A] : memref<128x8x128xi32, #tpu.memory_space<hbm>> -> memref<32x1x128xi32, #tpu.memory_space<hbm>>
      %dma_wait3A_56 = tpu.memref_squeeze %dma_wait3A_55 : memref<32x1x128xi32, #tpu.memory_space<hbm>> -> memref<32x128xi32, #tpu.memory_space<hbm>>
      %dma_wait3A_57 = arith.constant 0 : i32
      %dma_wait3A_58 = tpu.memref_slice %arg3[%mul3A_48, %and3A_49, %dma_wait3A_57] : memref<128x8x128xi32, #tpu.memory_space<hbm>> -> memref<32x1x128xi32, #tpu.memory_space<hbm>>
      %dma_wait3A_59 = tpu.memref_squeeze %dma_wait3A_58 : memref<32x1x128xi32, #tpu.memory_space<hbm>> -> memref<32x128xi32, #tpu.memory_space<hbm>>
      tpu.wait_dma2 semaphore(%run_scoped3A : memref<!tpu.dma_semaphore, #tpu.memory_space<semaphore_mem>>) src(%arg5 : memref<32x128xi32, #tpu.memory_space<vmem>>) dst(%dma_wait3A_59 : memref<32x128xi32, #tpu.memory_space<hbm>>)
      tpu.yield
    }) : () -> ()
    return
  }
}

</mosaic_0001>

<sc_bundles>
// kernel: _encode.3.cloned.1.call-start
scs
__scs_entry_jumppad:
0x0: {  	(pc) =	sbr.rel $0x88, $3  }
0x1: {  	(tag) =	ssettag $0x0;
	lr =	simm.s32 $0x1  }
0x2: {  	[smem:$0x3FA0] =	sst lr;
	_ =	strace $0xD0000000  }
0x3: {  	_ = 	snop  }
0x4: {  	_ = 	snop  }
0x5: {  	_ = 	snop  }
0x6: {  	_ = 	snop  }
0x7: {  	_ = 	snop  }
__scs_overlays_trampoline_lowered:
0x8: {  	[smem:$0x3FAF] =	sst s0  }
0x9: {  	[smem:$0x3FB0] =	sst s1  }
0xa: {  	[smem:$0x3FB1] =	sst s2  }
0xb: {  	[smem:$0x3FB2] =	sst s3  }
0xc: {  	[smem:$0x3FB3] =	sst s4  }
0xd: {  	[smem:$0x3FB4] =	sst s5  }
0xe: {  	[smem:$0x3FB5] =	sst s6  }
0xf: {  	[smem:$0x3FB6] =	sst s7  }
0x10: {  	[smem:$0x3FB7] =	sst s8  }
0x11: {  	[smem:$0x3FB8] =	sst s9;
	s0 =	simm.s32 @!p0 $0x0  }
0x12: {  	s1 =	sld [smem:$0x3F9E];
	s0 =	simm.s32 @p0 $0x1  }
0x13: {  	[smem:$0x3FB9] =	sst s0;
	s0 =	simm.s32 @!p1 $0x0  }
0x14: {  	s2 =	sld [smem:$0x3F9D];
	s0 =	simm.s32 @p1 $0x1  }
0x15: {  	[smem:$0x3FBA] =	sst s0;
	s0 =	simm.s32 @!p2 $0x0  }
0x16: {  	s3 =	sld [smem:$0x3FDB];
	s0 =	simm.s32 @p2 $0x1  }
0x17: {  	s4 =	simm.s32 $0x1BF5;
	[smem:$0x3FBC] =	sst s0  }
0x18: {  	s0 =	sld [smem:$0x3F9F];
	_ =	swait.ge [sflag:s4], $0x0  }
0x19: {  	s7 =	sld [smem:$0x3FA0]  }
0x1a: {  	s8 =	sadd.s32 $0xFFFFE003, lr  }
0x1b: {  	s9 =	sadd.s32 $0xFFFFFEF7, lr;
	s5 =	simm.s32 $0xFFFFFFFF;
	p2 =	slt.u32 s8, $0xFFFFF086  }
0x1c: {  	p1 =	slt.u32 s9, $0xF7A;
	s5 =	simm.s32 @!p2 $0x0  }
0x1d: {  	s5 =	simm.s32 @p1 $0x1;
	p0 =	seq.s32 s7, s2  }
0x1e: {  	s7 =	smul.u32 @!p0 $0xF7A, s2;
	p2 =	seq.s32 @!p0 s5, $0x0  }
0x1f: {  	s9 =	smul.u32 $0xF7A, s1;
	s8 =	simm.s32 @!p0 $0x1BF5;
	p2 =	por !p2, p0  }
0x20: {  	[sflag:s8] =	ssyncset.s32 @!p0 $0xFFFFF086;
	s6 =	sadd.s32 @!p0 s3, s7;
	s7 =	simm.s32 @!p0 $0x108  }
0x21: {  	s3 =	sadd.s32 s3, s9;
	s6 =	sadd.s32 @!p0 $0x88, s6;
	s7 =	simm.s32 @p2 $0x1082  }
0x22: {  	[simem:s7], [sflag:s8] =	dma.local @!p0 [hbm:s6], $0xF7A  }
0x23: {  	s9 =	sor.u32 $0xD0000000, s2;
	s6 =	simm.s32 $0x108;
	_ =	swait.ge @!p0 [sflag:s8], $0x0  }
0x24: {  	s3 =	sadd.s32 $0x88, s3;
	s6 =	simm.s32 @!p1 $0x1082;
	[sflag:s4] =	ssyncset.s32 $0xFFFFF086  }
0x25: {  	[simem:s6], [sflag:s4] =	dma.local [hbm:s3], $0xF7A  }
0x26: {  	[smem:$0x3FA0] =	sst s1;
	(tag) =	ssettag s2;
	_ =	strace s9  }
0x27: {  	s1 =	sld [smem:$0x3FB0]  }
0x28: {  	s2 =	sld [smem:$0x3FB1]  }
0x29: {  	s4 =	sld [smem:$0x3FB3]  }
0x2a: {  	p0 =	seq.s32 s5, $0x0;
	s5 =	sld [smem:$0x3FB4]  }
0x2b: {  	s6 =	sld [smem:$0x3FB5]  }
0x2c: {  	s7 =	sld [smem:$0x3FB6]  }
0x2d: {  	s3 =	simm.s32 $0x108;
	s8 =	sld [smem:$0x3FB7]  }
0x2e: {  	s3 =	simm.s32 @!p0 $0x1082;
	s9 =	sld [smem:$0x3FB8]  }
0x2f: {  	lr =	sadd.s32 s0, s3;
	s0 =	sld [smem:$0x3FAF]  }
0x30: {  	s3 =	sld [smem:$0x3FB2]  }
0x31: {  	[smem:$0x3FBB] =	sst s10  }
0x32: {  	s10 =	sld [smem:$0x3FB9];
	_ =	sdelay $0x3  }
0x33: {  	p0 =	seq.s32 s10, $0x1;
	s10 =	sld [smem:$0x3FBB];
	_ =	sdelay $0x3  }
0x34: {  	[smem:$0x3FBB] =	sst s10  }
0x35: {  	s10 =	sld [smem:$0x3FBA];
	_ =	sdelay $0x3  }
0x36: {  	p1 =	seq.s32 s10, $0x1;
	s10 =	sld [smem:$0x3FBB];
	_ =	sdelay $0x3  }
0x37: {  	[smem:$0x3FBB] =	sst s10  }
0x38: {  	s10 =	sld [smem:$0x3FBC]  }
0x39: {  	_ = 	snop;
	(pc) =	sbr.ind lr, $3  }
0x3a: {  	_ = 	snop  }
0x3b: {  	_ = 	snop  }
0x3c: {  	p2 =	seq.s32 s10, $0x1;
	s10 =	sld [smem:$0x3FBB]  }
0x3d: {  	_ =	shalt  }
0x3e: {  	_ =	shalt  }
0x3f: {  	_ =	shalt  }
0x40: {  	_ =	shalt  }
0x41: {  	_ =	shalt  }
0x42: {  	_ =	shalt  }
0x43: {  	_ =	shalt  }
0x44: {  	_ =	shalt  }
0x45: {  	_ =	shalt  }
0x46: {  	_ =	shalt  }
0x47: {  	_ =	shalt  }
0x48: {  	_ =	shalt  }
0x49: {  	_ =	shalt  }
0x4a: {  	_ =	shalt  }
0x4b: {  	_ =	shalt  }
0x4c: {  	_ =	shalt  }
0x4d: {  	_ =	shalt  }
0x4e: {  	_ =	shalt  }
0x4f: {  	_ =	shalt  }
0x50: {  	_ =	shalt  }
0x51: {  	_ =	shalt  }
0x52: {  	_ =	shalt  }
0x53: {  	_ =	shalt  }
0x54: {  	_ =	shalt  }
0x55: {  	_ =	shalt  }
0x56: {  	_ =	shalt  }
0x57: {  	_ =	shalt  }
0x58: {  	_ =	shalt  }
0x59: {  	_ =	shalt  }
0x5a: {  	_ =	shalt  }
0x5b: {  	_ =	shalt  }
0x5c: {  	_ =	shalt  }
0x5d: {  	_ =	shalt  }
0x5e: {  	_ =	shalt  }
0x5f: {  	_ =	shalt  }
0x60: {  	_ =	shalt  }
0x61: {  	_ =	shalt  }
0x62: {  	_ =	shalt  }
0x63: {  	_ =	shalt  }
0x64: {  	_ =	shalt  }
0x65: {  	_ =	shalt  }
0x66: {  	_ =	shalt  }
0x67: {  	_ =	shalt  }
0x68: {  	_ =	shalt  }
0x69: {  	_ =	shalt  }
0x6a: {  	_ =	shalt  }
0x6b: {  	_ =	shalt  }
0x6c: {  	_ =	shalt  }
0x6d: {  	_ =	shalt  }
0x6e: {  	_ =	shalt  }
0x6f: {  	_ =	shalt  }
0x70: {  	_ =	shalt  }
0x71: {  	_ =	shalt  }
0x72: {  	_ =	shalt  }
0x73: {  	_ =	shalt  }
0x74: {  	_ =	shalt  }
0x75: {  	_ =	shalt  }
0x76: {  	_ =	shalt  }
0x77: {  	_ =	shalt  }
0x78: {  	_ =	shalt  }
0x79: {  	_ =	shalt  }
0x7a: {  	_ =	shalt  }
0x7b: {  	_ =	shalt  }
0x7c: {  	_ =	shalt  }
0x7d: {  	_ =	shalt  }
0x7e: {  	_ =	shalt  }
0x7f: {  	_ =	shalt  }
0x80: {  	_ =	shalt  }
0x81: {  	_ =	shalt  }
0x82: {  	_ =	shalt  }
0x83: {  	_ =	shalt  }
0x84: {  	_ =	shalt  }
0x85: {  	_ =	shalt  }
0x86: {  	_ =	shalt  }
0x87: {  	_ =	shalt  }
.Lfunc_end0:
.L_simem_size_0:
called_computation_lowered:
.L_overlay_start_0:
0x88: {  	s2 =	sld [smem:$0x3FD9]  }
0x89: {  	s3 =	sld [smem:$0x3FFE];
	_ =	sdelay $0x1  }
0x8a: {  	s1 =	srdreg.scid  }
0x8b: {  	s0 =	sand.u32 $0x1, s1  }
0x8c: {  	s18 =	sshll.u32 s0, $0xA;
	s2 =	sadd.s32 s3, s2  }
0x8d: {  	s2 =	sadd.s32 s2, s18  }
0x8e: {  	[smem:$0x3FC7] =	sst s2  }
0x8f: {  	_ = 	snop  }
0x90: {  	s2 =	sld [smem:$0x3FC9]  }
0x91: {  	s19 =	sld [smem:$0x3FD0];
	(tm) =	ssettm $0x1  }
0x92: {  	s4 =	sld [smem:$0x3FFB];
	_ =	sdelay $0x3  }
0x93: {  	_ =	strace s4  }
0x94: {  	s4 =	sld [smem:$0x3FFC];
	_ =	sdelay $0x3  }
0x95: {  	_ =	strace s4  }
0x96: {  	s4 =	sld [smem:$0x3FFD];
	_ =	sdelay $0x3  }
0x97: {  	_ =	strace s4  }
0x98: {  	_ =	strace $0x8FFFFFFF  }
0x99: {  	s20 =	sld [smem:$0x3FDB];
	_ =	sdelay $0x1  }
0x9a: {  	s5 =	simm.s32 $_scs_section_size  }
0x9b: {  	s6 =	simm.s32 $_size__tile_overlayer_lowered;
	s7 =	simm.s32 $_tile_overlayer_lowered  }
0x9c: {  	s23 =	simm.s32 $0x1BFF;
	s22 =	sshll.u32 s7, $0x1;
	s4 =	sadd.s32 s5, s20  }
0x9d: {  	s8 =	simm.s32 $0x0;
	s21 =	sshll.u32 s6, $0x1;
	s6 =	sadd.s32 s22, s4  }
0x9e: {  	[timem:s8], [sflag:s23] =	dma.local [hbm:s6], s21  }
0x9f: {  	_ =	swait.ge [sflag:s23], s21  }
0xa0: {  	s5 =	ssub.s32 $0x0, s21;
	[sflag:s23] =	ssyncset.done $0x0  }
0xa1: {  	[sflag:s23] =	ssyncadd.s32 s5;
	_ =	sdelay $0x1  }
0xa2: {  	s24 =	simm.s32 $0x1B8B  }
0xa3: {  	_ =	swait.ge [sflag:s24], $0x1  }
0xa4: {  	[sflag:s24] =	ssyncset.done $0x0  }
0xa5: {  	s25 =	simm.s32 $0x1B8E;
	[sflag:s24] =	ssyncadd.s32 $0xFFFFFFFF  }
0xa6: {  	s26 =	simm.s32 $execute0_lowered;
	[smem:$0x3FD2] =	sst s25  }
0xa7: {  	s5 =	sshll.u32 s26, $0x1;
	_ =	strace $0x80000046;
	[dreg:$0x1] =	wrdreg $0xFFFFFFFF  }
0xa8: {  	s28 =	simm.s32 $_size_execute0_lowered;
	s4 =	sadd.s32 s4, s5;
	[dreg:$0x0] =	wrdreg $0x0  }
0xa9: {  	s5 =	sshll.u32 s28, $0x1;
	[dreg:$0x2] =	wrdreg s4  }
0xaa: {  	[dreg:$0x3] =	wrdreg s5  }
0xab: {  	[dreg:$0x4] =	wrdreg $0xC0  }
0xac: {  	_ =	task [dreg:s8], $0x5FFFF  }
0xad: {  	[dreg:$0x1] =	wrdreg $0xFFFFFFFF  }
0xae: {  	[dreg:$0x0] =	wrdreg $0x60  }
0xaf: {  	[dreg:$0x2] =	wrdreg s2  }
0xb0: {  	[dreg:$0x3] =	wrdreg s19  }
0xb1: {  	[dreg:$0x4] =	wrdreg $0x9  }
0xb2: {  	_ =	task.clear_ibuf [dreg:s8], $0x5FFFF;
	_ =	strace $0x90000046  }
0xb3: {  	s29 =	simm.s32 $0x9;
	_ =	strace $0x80000048  }
0xb4: {  	_ =	swait.ge [sflag:s29], $0x1  }
0xb5: {  	[sflag:s29] =	ssyncadd.s32 $0xFFFFFFFF  }
0xb6: {  	_ =	strace $0x90000048  }
0xb7: {  	_ =	sfence  }
0xb8: {  	s30 =	sld [smem:$0x0];
	_ =	sdelay $0x2  }
0xb9: {  	s31 =	sshll.u32 s1, $0xD;
	s1 =	sshrl.u32 s1, $0x2  }
0xba: {  	s3 =	sand.u32 $0x4000, s31;
	s1 =	sadd.s32 s1, s30  }
0xbb: {  	s0 =	sor.u32 s3, s0;
	s1 =	sshll.u32 s1, $0x11  }
0xbc: {  	s0 =	sor.u32 s1, s0  }
0xbd: {  	s0 =	sadd.s32 $0x8F2B, s0  }
0xbe: {  	[sflag:s0] =	ssyncadd.remote.s32 $0x1  }
0xbf: {  	_ =	sfence.sel $0xFFFF  }
0xc0: {  	[dreg:$0x0] =	wrdreg $0xFFFFFFFF;
	(pc) =	sbr.abs _section_cstart, $3  }
0xc1: {  	[dreg:$0x1] =	wrdreg $0xFFFFFFFF  }
0xc2: {  	_ =	task.clear_ibuf [dreg:s8], $0x2FFFF;
	_ =	strace $0x9FFFFFFF  }
0xc3: {  	(tm) =	ssettm $0x7FFFFFFF  }
tec
execute0_lowered:
.L_overlay_start_1:
0x0: {  	(tag) =	ssettag $0x1  }
0x1: {  	s1 =	srdreg.scid;
	s4 =	rddreg [dreg:$0x0]  }
0x2: {  	s0 =	stileid.u32;
	s5 =	rddreg [dreg:$0x1]  }
0x3: {  	s2 =	simm.s32 $0x0;
	s3 =	sand.u32 $0x1, s1;
	s31 =	sshll.u32 s0, $0x1  }
0x4: {  	s9 =	simm.s32 $0x400;
	s10 =	simm.s32 $0x0;
	s1 =	sor.u32 s3, s31  }
0x5: {  	[smem:$0x7FF] =	sst s2;
	s6 =	sshll.u32 s1, $0xC;
	s7 =	sshll.u32 s1, $0x7  }
.Ltmp0:
0x6: {  	s3 =	ssub.s32 $0x2, s3;
	s7 =	sor.u32 s7, s6;
	(pc) =	sbr.rel .LBB2_1-.Ltmp0, $4  }
0x7: {  	s1 =	rddreg [dreg:$0x2];
	s8 =	sshrl.u32 s3, $0x1;
	s7 =	sand.u32 $0x18380, s7  }
0x8: {  	_ =	strace $0x80000047;
	s8 =	ssub.s32 s3, s8;
	s7 =	sshrl.u32 s7, $0x3  }
0x9: {  	s3 =	sadd.s32 s4, s6;
	s6 =	simm.s32 $0x1;
	s4 =	sadd.s32 s5, s7  }
0xa: {  	v0 =	vimm.s32 $0x0;
	v1 =	vlaneseq.u32;
	v2 =	vimm.f32 $0.0e+00;
	s5 =	smax.u32 s8, $0x1;
	s7 =	simm.s32 $0x8000;
	s8 =	simm.s32 $0x80  }
.LBB2_8:
0xb: {  	s10 =	sadd.s32 $0x1, s10  }
0xc: {  	p0 =	sne.s32 s10, s5  }
.Ltmp1:
0xd: {  	_ = 	snop;
	(pc) =	sbr.rel @!p0 .LBB2_9-.Ltmp1, $4  }
0xe: {  	[hbm4b:s4+s8] =	stream.strided.scatter [tilespmem:s7], [sflag:$0x1], $0x1000, s9, s8, $0x38;
	[tilespmem:$0x1A080] =	vst v63  }
0xf: {  	_ =	swait.ge [sflag:s6], $0x1000  }
0x10: {  	[sflag:s6] =	ssyncset.done $0x0  }
0x11: {  	[sflag:s6] =	ssyncadd.s32 $0xFFFFF000  }
.LBB2_1:
0x12: {  	[tilespmem:s2], [sflag:$0x1] =	stream.linear.gather [hbm4b:s3+s2], $0x8000, $0x38;
	[tilespmem:$0x1A080] =	vst v63  }
0x13: {  	s11 =	simm.s32 $0x10;
	s12 =	simm.s32 $0x0;
	_ =	swait.ge [sflag:s6], $0x8000  }
0x14: {  	s15 =	sand.u32 $0x3FFFFE00, s12;
	s31 =	sand.u32 $0x70, s11;
	[sflag:s6] =	ssyncset.done $0x0  }
0x15: {  	s16 =	sor.u32 s31, s15;
	[sflag:s6] =	ssyncadd.s32 $0xFFFF8000  }
0x16: {  	v4 =	vld [tilespmem:s16+$0x180]  }
0x17: {  	v5 =	vld [tilespmem:s16+$0x100]  }
0x18: {  	s14 =	sadd.s32 $0x4180, s15;
	v6 =	vld [tilespmem:s16+$0x80]  }
0x19: {  	s17 =	sadd.s32 $0x4080, s15;
	s20 =	sor.u32 s31, s14;
	v7 =	vld [tilespmem:s16+$0x0]  }
0x1a: {  	s13 =	sadd.s32 $0x4100, s15;
	s19 =	sor.u32 s31, s17;
	v8 =	vld [tilespmem:s20+$0x0]  }
0x1b: {  	s21 =	sadd.s32 $0x4000, s15;
	s18 =	sor.u32 s31, s13;
	v10 =	vld [tilespmem:s19+$0x0]  }
0x1c: {  	s23 =	simm.s32 $0x0;
	s22 =	sor.u32 s31, s21;
	v9 =	vld [tilespmem:s18+$0x0]  }
0x1d: {  	v3 =	vor.u32 s23, v1;
	v11 =	vld [tilespmem:s22+$0x0];
	vm2 =	vgt.f32 v5, $5.019531250e-01;
	vm3 =	vgt.f32 v4, $5.019531250e-01  }
0x1e: {  	vm4 =	vgt.f32 v7, $5.019531250e-01;
	v5 =	vadd.f32 $-5.004882810e-01, v5;
	v4 =	vadd.f32 $-5.004882810e-01, v4  }
0x1f: {  	v7 =	vadd.f32 $-5.004882810e-01, v7;
	vm5 =	vgt.f32 v6, $5.019531250e-01;
	v6 =	vadd.f32 $-5.004882810e-01, v6  }
0x20: {  	vm6 =	vgt.f32 v10, $5.019531250e-01;
	vm0 =	vgt.f32 v8, $5.019531250e-01;
	v8 =	vadd.f32 $-5.004882810e-01, v8  }
0x21: {  	vm1 =	vgt.f32 v9, $5.019531250e-01;
	v10 =	vadd.f32 $-5.004882810e-01, v10;
	v16 =	vadd.f32 $-5.004882810e-01, v9  }
0x22: {  	v9 =	vadd.f32 $-5.004882810e-01, v11;
	v12 =	vsel vm2, $0x4, v0;
	v13 =	vsel vm3, $0x8, v0  }
0x23: {  	vm2 =	vgt.f32 v11, $5.019531250e-01;
	v14 =	vsel vm4, $0x1, v0;
	v7 =	vand.u32 $0x7FFFFFFF, v7  }
0x24: {  	s24 =	sand.u32 $0x60, s23;
	v15 =	vsel vm5, $0x2, v0;
	v6 =	vand.u32 $0x7FFFFFFF, v6;
	v7 =	vmin.f32 v7, $1.000000000e+00  }
0x25: {  	s15 =	sor.u32 s24, s15;
	v5 =	vand.u32 $0x7FFFFFFF, v5;
	v4 =	vand.u32 $0x7FFFFFFF, v4;
	v6 =	vmin.f32 v7, v6  }
0x26: {  	v17 =	vld [tilespmem:s15+$0x0];
	v11 =	vsel vm2, $0x10, v0;
	v7 =	vsel vm6, $0x20, v0;
	v5 =	vmin.f32 v6, v5  }
0x27: {  	v6 =	vor.u32 v14, v15;
	v4 =	vmin.f32 v5, v4;
	v5 =	vand.u32 $0x7FFFFFFF, v9  }
0x28: {  	v14 =	vld [tilespmem:s15+$0x80];
	v6 =	vor.u32 v12, v6;
	v4 =	vmin.f32 v4, v5;
	v5 =	vand.u32 $0x7FFFFFFF, v10  }
0x29: {  	v9 =	vld [tilespmem:s15+$0x100];
	v10 =	vor.u32 v13, v6;
	v4 =	vmin.f32 v4, v5;
	v5 =	vand.u32 $0x7FFFFFFF, v16  }
0x2a: {  	v6 =	vld [tilespmem:s15+$0x180];
	v10 =	vor.u32 v11, v10;
	v4 =	vmin.f32 v4, v5;
	v5 =	vand.u32 $0x7FFFFFFF, v8  }
0x2b: {  	s28 =	simm.s32 $0x0;
	s25 =	sor.u32 s24, s21;
	v7 =	vor.u32 v7, v10;
	v8 =	vsel vm1, $0x40, v0;
	v10 =	vadd.f32 $-5.004882810e-01, v17  }
0x2c: {  	s26 =	sor.u32 s24, s17;
	s15 =	sand.u32 $0x3FFFFF80, s28;
	v4 =	vmin.f32 v4, v5;
	v5 =	vld [tilespmem:s25+$0x0];
	v7 =	vor.u32 v8, v7;
	v8 =	vsel vm0, $0x80, v0  }
0x2d: {  	s15 =	sadd.s32 $0x8000, s15;
	vm1 =	vle.f32 v4, $1.464843750e-03;
	v4 =	vld [tilespmem:s26+$0x0];
	v7 =	vor.u32 v8, v7;
	v8 =	vadd.f32 $-5.004882810e-01, v14  }
0x2e: {  	s30 =	sor.u32 s24, s13;
	s29 =	sor.u32 s31, s15;
	v12 =	vadd.f32 $-5.004882810e-01, v9;
	v10 =	vand.u32 $0x7FFFFFFF, v10;
	v11 =	vmpcnt.ones.xlane vm1  }
0x2f: {  	v13 =	vadd.f32 $-5.004882810e-01, v6;
	[tilespmem:s29+$0x0] =	vst v7;
	v7 =	vmin.f32 v10, $1.000000000e+00;
	v10 =	vand.u32 $0x7FFFFFFF, v8;
	v8 =	vld [tilespmem:s30+$0x0]  }
0x30: {  	s12 =	simm.s32 $0x9080;
	v15 =	vor.u32 s11, v1;
	s31 =	sor.u32 s24, s14;
	vm0 =	vgt.f32 v17, $5.019531250e-01;
	v63 =	vand.u32 $0x7FFFFFFF, v12  }
0x31: {  	s13 =	simm.s32 $0x11080;
	[tilespmem:s12+$0x0] =	vst v11;
	v10 =	vmin.f32 v7, v10;
	v11 =	vand.u32 $0x7FFFFFFF, v13;
	v7 =	vld [tilespmem:s31+$0x0];
	v12 =	vadd.f32 $-5.004882810e-01, v5  }
0x32: {  	s14 =	simm.s32 $0x0;
	s15 =	sor.u32 s24, s15;
	[tilespmem:s13+$0x0] =	vst.msk vm1, v15;
	vm1 =	vgt.f32 v14, $5.019531250e-01;
	v13 =	vmin.f32 v10, v63;
	v10 =	vadd.f32 $-5.004882810e-01, v4  }
.LBB2_2:
0x33: {  	s14 =	sadd.s32 $0x2, s14;
	v14 =	vsel vm0, $0x1, v0;
	v11 =	vmin.f32 v13, v11;
	v12 =	vand.u32 $0x7FFFFFFF, v12  }
0x34: {  	v13 =	vsel vm1, $0x2, v0;
	vm0 =	vgt.f32 v9, $5.019531250e-01;
	v9 =	vadd.f32 $-5.004882810e-01, v8;
	s11 =	sadd.s32 $0x20, s11;
	s16 =	sshll.u32 s14, $0x6;
	p0 =	slt.u32 s14, $0xFE  }
0x35: {  	s20 =	sadd.s32 $0xFFFFFFF0, s11;
	v13 =	vor.u32 v14, v13;
	v11 =	vmin.f32 v11, v12;
	v10 =	vand.u32 $0x7FFFFFFF, v10;
	s21 =	sand.u32 $0x3FFFFE00, s16;
	s16 =	sand.u32 $0x70, s11  }
0x36: {  	v12 =	vsel vm0, $0x4, v0;
	vm0 =	vgt.f32 v6, $5.019531250e-01;
	v6 =	vadd.f32 $-5.004882810e-01, v7;
	s17 =	sand.u32 $0x60, s20;
	s22 =	sor.u32 s16, s21  }
0x37: {  	v12 =	vor.u32 v12, v13;
	v10 =	vmin.f32 v11, v10;
	v9 =	vand.u32 $0x7FFFFFFF, v9;
	s19 =	sor.u32 s17, s21;
	v14 =	vld [tilespmem:s22+$0x180]  }
0x38: {  	v13 =	vsel vm0, $0x8, v0;
	vm0 =	vgt.f32 v5, $5.019531250e-01;
	v5 =	vmin.f32 v10, v9;
	v11 =	vld [tilespmem:s22+$0x100]  }
0x39: {  	s23 =	sadd.s32 $0x4180, s21;
	v9 =	vor.u32 v13, v12;
	v12 =	vsel vm0, $0x10, v0;
	v6 =	vand.u32 $0x7FFFFFFF, v6;
	v10 =	vld [tilespmem:s22+$0x80]  }
0x3a: {  	s24 =	sadd.s32 $0x4100, s21;
	vm0 =	vgt.f32 v4, $5.019531250e-01;
	s18 =	sor.u32 s17, s23;
	v9 =	vor.u32 v12, v9;
	v4 =	vmin.f32 v5, v6;
	v13 =	vld [tilespmem:s22+$0x0];
	s22 =	sor.u32 s16, s23  }
0x3b: {  	vm1 =	vgt.f32 v8, $5.019531250e-01;
	s25 =	sor.u32 s17, s24;
	s24 =	sor.u32 s16, s24;
	v5 =	vsel vm0, $0x20, v0;
	vm0 =	vle.f32 v4, $1.464843750e-03;
	s23 =	sadd.s32 $0x4080, s21;
	v12 =	vld [tilespmem:s22+$0x0]  }
0x3c: {  	v4 =	vor.u32 v5, v9;
	v5 =	vsel vm1, $0x40, v0;
	vm1 =	vgt.f32 v7, $5.019531250e-01;
	s21 =	sadd.s32 $0x4000, s21;
	s22 =	sor.u32 s17, s23;
	s23 =	sor.u32 s16, s23;
	v15 =	vld [tilespmem:s24+$0x0]  }
0x3d: {  	v4 =	vor.u32 v5, v4;
	v5 =	vsel vm1, $0x80, v0;
	v6 =	vmpcnt.ones.xlane vm0;
	s24 =	sor.u32 s17, s21;
	s21 =	sor.u32 s16, s21;
	v7 =	vld [tilespmem:s23+$0x0]  }
0x3e: {  	v8 =	vor.u32 s20, v1;
	v4 =	vor.u32 v5, v4;
	v16 =	vld [tilespmem:s21+$0x0]  }
0x3f: {  	vm3 =	vgt.f32 v14, $5.019531250e-01;
	vm2 =	vgt.f32 v11, $5.019531250e-01;
	v17 =	vld [tilespmem:s19+$0x0];
	[tilespmem:s15+$0x0] =	vst v4  }
0x40: {  	v14 =	vadd.f32 $-5.004882810e-01, v14;
	v11 =	vadd.f32 $-5.004882810e-01, v11;
	vm4 =	vgt.f32 v13, $5.019531250e-01;
	v18 =	vld [tilespmem:s19+$0x80];
	[tilespmem:s12+$0xFFFFFF80] =	vst v6  }
0x41: {  	vm5 =	vgt.f32 v10, $5.019531250e-01;
	v10 =	vadd.f32 $-5.004882810e-01, v10;
	v13 =	vadd.f32 $-5.004882810e-01, v13;
	v9 =	vld [tilespmem:s19+$0x100];
	[tilespmem:s13+$0xFFFFFF80] =	vst.msk vm0, v3;
	v3 =	vmovc v8  }
0x42: {  	vm1 =	vgt.f32 v15, $5.019531250e-01;
	vm0 =	vgt.f32 v12, $5.019531250e-01;
	v6 =	vld [tilespmem:s19+$0x180];
	vm6 =	vgt.f32 v7, $5.019531250e-01  }
0x43: {  	v20 =	vsel vm3, $0x8, v0;
	v19 =	vsel vm2, $0x4, v0;
	v5 =	vld [tilespmem:s24+$0x0];
	vm2 =	vgt.f32 v16, $5.019531250e-01  }
0x44: {  	v22 =	vsel vm5, $0x2, v0;
	v21 =	vsel vm4, $0x1, v0;
	v12 =	vadd.f32 $-5.004882810e-01, v12;
	v4 =	vld [tilespmem:s22+$0x0]  }
0x45: {  	v13 =	vand.u32 $0x7FFFFFFF, v13;
	v15 =	vadd.f32 $-5.004882810e-01, v15;
	v23 =	vadd.f32 $-5.004882810e-01, v7;
	v8 =	vld [tilespmem:s25+$0x0]  }
0x46: {  	v10 =	vand.u32 $0x7FFFFFFF, v10;
	v13 =	vmin.f32 v13, $1.000000000e+00;
	v16 =	vadd.f32 $-5.004882810e-01, v16;
	v7 =	vld [tilespmem:s18+$0x0]  }
0x47: {  	v11 =	vand.u32 $0x7FFFFFFF, v11;
	v10 =	vmin.f32 v13, v10;
	v13 =	vsel vm6, $0x20, v0  }
0x48: {  	v10 =	vmin.f32 v10, v11;
	v11 =	vand.u32 $0x7FFFFFFF, v14;
	v14 =	vsel vm2, $0x10, v0  }
0x49: {  	v21 =	vor.u32 v21, v22;
	v10 =	vmin.f32 v10, v11;
	v11 =	vand.u32 $0x7FFFFFFF, v16  }
0x4a: {  	v16 =	vor.u32 v19, v21;
	v10 =	vmin.f32 v10, v11;
	v11 =	vand.u32 $0x7FFFFFFF, v23  }
0x4b: {  	v16 =	vor.u32 v20, v16;
	v10 =	vmin.f32 v10, v11;
	v11 =	vand.u32 $0x7FFFFFFF, v15  }
0x4c: {  	s15 =	sshll.u32 s14, $0x4;
	v14 =	vor.u32 v14, v16;
	v10 =	vmin.f32 v10, v11;
	v11 =	vand.u32 $0x7FFFFFFF, v12  }
0x4d: {  	s15 =	sand.u32 $0x3FFFFF80, s15;
	v12 =	vor.u32 v13, v14;
	v13 =	vsel vm1, $0x40, v0;
	v10 =	vmin.f32 v10, v11  }
0x4e: {  	s18 =	sadd.s32 $0x8000, s15;
	v11 =	vor.u32 v13, v12;
	v12 =	vsel vm0, $0x80, v0;
	vm1 =	vle.f32 v10, $1.464843750e-03  }
0x4f: {  	s15 =	sor.u32 s17, s18;
	s16 =	sor.u32 s16, s18;
	v10 =	vadd.f32 $-5.004882810e-01, v17;
	v11 =	vor.u32 v12, v11;
	v12 =	vmpcnt.ones.xlane vm1  }
.Ltmp2:
0x50: {  	s12 =	sadd.s32 $0x100, s12;
	v14 =	vadd.f32 $-5.004882810e-01, v9;
	vm0 =	vgt.f32 v17, $5.019531250e-01;
	v13 =	vadd.f32 $-5.004882810e-01, v18;
	[tilespmem:s16+$0x0] =	vst v11;
	(pc) =	sbr.rel @p0 .LBB2_2-.Ltmp2, $4  }
0x51: {  	s13 =	sadd.s32 $0x100, s13;
	v10 =	vand.u32 $0x7FFFFFFF, v10;
	v11 =	vadd.f32 $-5.004882810e-01, v6;
	[tilespmem:s12+$0x0] =	vst v12;
	v12 =	vor.u32 s11, v1  }
0x52: {  	v14 =	vand.u32 $0x7FFFFFFF, v14;
	v13 =	vand.u32 $0x7FFFFFFF, v13;
	v10 =	vmin.f32 v10, $1.000000000e+00;
	s16 =	simm.s32 $0x0;
	[tilespmem:s13+$0x0] =	vst.msk vm1, v12  }
0x53: {  	v10 =	vmin.f32 v10, v13;
	v11 =	vand.u32 $0x7FFFFFFF, v11;
	v12 =	vadd.f32 $-5.004882810e-01, v5  }
0x54: {  	v13 =	vmin.f32 v10, v14;
	v10 =	vadd.f32 $-5.004882810e-01, v4;
	vm1 =	vgt.f32 v18, $5.019531250e-01  }
0x55: {  	v14 =	vsel vm0, $0x1, v0;
	v11 =	vmin.f32 v13, v11  }
0x56: {  	v12 =	vand.u32 $0x7FFFFFFF, v12;
	v55 =	vsel vm1, $0x2, v0;
	vm8 =	vgt.f32 v9, $5.019531250e-01  }
0x57: {  	v56 =	vadd.f32 $-5.004882810e-01, v8;
	vm9 =	vgt.f32 v6, $5.019531250e-01;
	v58 =	vadd.f32 $-5.004882810e-01, v7  }
0x58: {  	vm10 =	vgt.f32 v5, $5.019531250e-01;
	vm11 =	vgt.f32 v4, $5.019531250e-01;
	vm12 =	vgt.f32 v8, $5.019531250e-01  }
0x59: {  	v13 =	vor.u32 v14, v55;
	v11 =	vmin.f32 v11, v12;
	v10 =	vand.u32 $0x7FFFFFFF, v10  }
0x5a: {  	v57 =	vsel vm8, $0x4, v0;
	v59 =	vsel vm9, $0x8, v0;
	v61 =	vsel vm10, $0x10, v0  }
0x5b: {  	v12 =	vor.u32 v57, v13;
	v10 =	vmin.f32 v11, v10;
	v9 =	vand.u32 $0x7FFFFFFF, v56  }
0x5c: {  	v6 =	vand.u32 $0x7FFFFFFF, v58;
	v5 =	vmin.f32 v10, v9;
	v60 =	vor.u32 v59, v12  }
0x5d: {  	v9 =	vor.u32 v61, v60;
	v4 =	vmin.f32 v5, v6;
	v5 =	vsel vm11, $0x20, v0  }
0x5e: {  	vm13 =	vgt.f32 v7, $5.019531250e-01;
	v62 =	vsel vm12, $0x40, v0;
	v5 =	vor.u32 v5, v9  }
0x5f: {  	vm14 =	vle.f32 v4, $1.464843750e-03;
	v4 =	vor.u32 v62, v5;
	v5 =	vsel vm13, $0x80, v0  }
0x60: {  	v63 =	vmpcnt.ones.xlane vm14;
	v4 =	vor.u32 v5, v4  }
0x61: {  	[tilespmem:s15+$0x0] =	vst v4  }
0x62: {  	[tilespmem:s12+$0xFFFFFF80] =	vst v63  }
0x63: {  	s11 =	simm.s32 $0x0;
	[tilespmem:s13+$0xFFFFFF80] =	vst.msk vm14, v3  }
0x64: {  	v3 =	vld [tilespmem:s11+$0x9000];
	_ =	sdelay $0x4  }
0x65: {  	(v2sf) =	vpush v3, $0x0;
	_ =	sdelay $0x4  }
0x66: {  	v4 =	vld [tilespmem:s11+$0x11000];
	_ =	sdelay $0x1  }
0x67: {  	v5 =	vbroadcast v3, $0x0;
	_ =	sdelay $0x1  }
0x68: {  	vm15 =	vgt.s32 v5, v1  }
0x69: {  	s13 =	simm.s32 $0x80;
	[tilespmem:s16+$0x19000] =	vst.msk vm15, v4  }
0x6a: {  	v3 =	vld [tilespmem:s13+$0x9000];
	_ =	sdelay $0x1  }
0x6b: {  	s12 =	simm.s32 $0x600;
	s11 =	simm.s32 $0x400  }
.LBB2_4:
0x6c: {  	p0 =	sne.s32 s12, $0x1FE00;
	v4 =	vld [tilespmem:s13+$0x11000]  }
0x6d: {  	s13 =	spop (v2sf)  }
0x6e: {  	v5 =	vbroadcast v3, $0x0;
	(v2sf) =	vpush v3, $0x0;
	s16 =	sadd.s32 s16, s13;
	_ =	sdelay $0x1  }
0x6f: {  	vm0 =	vgt.s32 v5, v1  }
0x70: {  	[tilespmem:s16+$0x19000] =	vst.msk vm0, v4;
	_ =	sdelay $0x5  }
.Ltmp3:
0x71: {  	(pc) =	sbr.rel @p0 .LBB2_4-.Ltmp3, $3  }
0x72: {  	s13 =	sshra.s32 s11, $0x2;
	s11 =	smov.u32 s12  }
0x73: {  	v3 =	vld [tilespmem:s13+$0x9000];
	_ =	sdelay $0x1  }
0x74: {  	s12 =	sadd.s32 $0x200, s12  }
0x75: {  	v4 =	vld [tilespmem:s13+$0x11000];
	_ =	sdelay $0x1  }
0x76: {  	v5 =	vbroadcast v3, $0x0  }
0x77: {  	s12 =	spop (v2sf)  }
0x78: {  	s12 =	sadd.s32 s16, s12;
	vm0 =	vgt.s32 v5, v1  }
0x79: {  	s11 =	sshra.s32 s11, $0x2;
	[tilespmem:s12+$0x19000] =	vst.msk vm0, v4  }
0x7a: {  	v4 =	vld [tilespmem:s11+$0x9000];
	_ =	sdelay $0x3  }
0x7b: {  	(v2sf) =	vpush v3, $0x0  }
0x7c: {  	(v2sf) =	vpush v4, $0x0;
	_ =	sdelay $0xd  }
0x7d: {  	s30 =	spop (v2sf)  }
0x7e: {  	s13 =	sadd.s32 s12, s30;
	s31 =	spop (v2sf)  }
0x7f: {  	s12 =	sadd.s32 s13, s31  }
0x80: {  	v3 =	vld [tilespmem:s11+$0x11000];
	s11 =	sadd.s32 $0xF, s12  }
0x81: {  	s11 =	sshra.s32 s11, $0x4  }
0x82: {  	p0 =	slt.s32 s11, $0x1  }
.Ltmp4:
0x83: {  	_ = 	snop;
	(pc) =	sbr.rel @p0 .LBB2_8-.Ltmp4, $3  }
0x84: {  	v4 =	vbroadcast v4, $0x0;
	_ =	sdelay $0x1  }
0x85: {  	vm15 =	vgt.s32 v4, v1  }
0x86: {  	[tilespmem:s13+$0x19000] =	vst.msk vm15, v3  }
0x87: {  	v3 =	vmov s12;
	s12 =	simm.s32 $0x19000;
	s13 =	simm.s32 $0x0  }
.LBB2_7:
0x88: {  	v4 =	vld [tilespmem:s12+$0x0];
	_ =	sdelay $0x2  }
0x89: {  	v5 =	vor.u32 s13, v1  }
0x8a: {  	vm0 =	vlt.s32 v5, v3  }
0x8b: {  	v4 =	vnsel vm0, $0x0, v4  }
0x8c: {  	v5 =	vshll.u32 v4, $0x2  }
0x8d: {  	v6 =	vand.u32 $0x7F, v4;
	v5 =	vand.u32 $0xFFFFFE00, v5  }
0x8e: {  	v5 =	vor.u32 v6, v5  }
0x8f: {  	v6 =	vor.u32 $0x80, v5  }
0x90: {  	v8 =	vor.u32 $0x100, v5  }
0x91: {  	v11 =	vor.u32 $0x180, v5  }
0x92: {  	v16 =	vadd.s32 $0x4000, v5  }
0x93: {  	v33 =	vadd.s32 $0x4080, v5;
	v7 =	vld.idx.msk [tilespmem:v5+s2+$0x0], $0xffff  }
0x94: {  	v6 =	vld.idx.msk [tilespmem:v6+s2+$0x0], $0xffff  }
0x95: {  	v8 =	vld.idx.msk [tilespmem:v8+s2+$0x0], $0xffff  }
0x96: {  	v11 =	vld.idx.msk [tilespmem:v11+s2+$0x0], $0xffff  }
0x97: {  	v32 =	vld.idx.msk [tilespmem:v16+s2+$0x0], $0xffff  }
0x98: {  	v16 =	vld.idx.msk [tilespmem:v33+s2+$0x0], $0xffff;
	_ =	sdelay $0x1  }
0x99: {  	v36 =	vadd.s32 $0x4100, v5;
	v5 =	vadd.s32 $0x4180, v5  }
0x9a: {  	v9 =	vshrl.u32 v7, $0x10  }
0x9b: {  	v9 =	vand.u32 $0x1, v9;
	v10 =	vshrl.u32 v6, $0x10;
	v15 =	vshrl.u32 v8, $0x10  }
0x9c: {  	v18 =	vshrl.u32 v11, $0x10;
	v39 =	vshrl.u32 v32, $0x10;
	v42 =	vshrl.u32 v16, $0x10  }
0x9d: {  	v9 =	vadd.s32 v9, v7;
	v10 =	vand.u32 $0x1, v10;
	v15 =	vand.u32 $0x1, v15  }
0x9e: {  	v5 =	vld.idx.msk [tilespmem:v5+s2+$0x0], $0xffff;
	v35 =	vand.u32 $0x1, v18;
	v7 =	vmul.f32 v7, v7;
	v9 =	vadd.s32 $0x7FFF, v9  }
0x9f: {  	v10 =	vadd.s32 v10, v6;
	v15 =	vadd.s32 v15, v8;
	v6 =	vmul.f32 v6, v6  }
0xa0: {  	v8 =	vmul.f32 v8, v8;
	v9 =	vand.u32 $0xFFFF0000, v9;
	v10 =	vadd.s32 $0x7FFF, v10  }
0xa1: {  	v15 =	vadd.s32 $0x7FFF, v15;
	vm1 =	vgt.s32 v9, $0x3F000000;
	vm2 =	veq.s32 v9, $0x3F000000  }
0xa2: {  	v9 =	vadd.f32 $0.0e+00, v9;
	v10 =	vand.u32 $0xFFFF0000, v10;
	v15 =	vand.u32 $0xFFFF0000, v15  }
0xa3: {  	v18 =	vld.idx.msk [tilespmem:v36+s2+$0x0], $0xffff;
	v48 =	vshrl.u32 v5, $0x10;
	v12 =	vsel vm1, $0x1, v0;
	v13 =	vsel vm2, $0x1, v0  }
0xa4: {  	v14 =	vsel vm1, $0x3F800000, v2;
	vm13 =	vgt.s32 v10, $0x3F000000;
	vm14 =	veq.s32 v10, $0x3F000000  }
0xa5: {  	vm15 =	vgt.s32 v15, $0x3F000000;
	vm4 =	veq.s32 v15, $0x3F000000;
	v9 =	vnsel vm1, $0x0, v9  }
0xa6: {  	v17 =	vsel vm13, $0x2, v0;
	v30 =	vsel vm14, $0x2, v0;
	v10 =	vnsel vm13, $0x0, v10  }
0xa7: {  	v31 =	vsel vm13, $0x3F800000, v2;
	v34 =	vsel vm15, $0x4, v0;
	v19 =	vsel vm4, $0x4, v0  }
0xa8: {  	v15 =	vnsel vm15, $0x0, v15;
	v37 =	vsel vm15, $0x3F800000, v2;
	v24 =	vshrl.u32 v18, $0x10  }
0xa9: {  	v12 =	vor.u32 v12, v17;
	v13 =	vor.u32 v13, v30;
	v9 =	vadd.f32 v10, v9  }
0xaa: {  	v10 =	vadd.f32 v31, v14;
	v17 =	vadd.s32 v35, v11;
	v24 =	vand.u32 $0x1, v24  }
0xab: {  	v14 =	vmul.f32 v32, v32;
	v11 =	vmul.f32 v11, v11;
	v12 =	vor.u32 v34, v12  }
0xac: {  	v17 =	vadd.s32 $0x7FFF, v17;
	v44 =	vadd.s32 v24, v18;
	v24 =	vand.u32 $0x1, v48  }
0xad: {  	v18 =	vmul.f32 v18, v18;
	v13 =	vor.u32 v19, v13;
	v9 =	vadd.f32 v15, v9  }
0xae: {  	v10 =	vadd.f32 v37, v10;
	v38 =	vand.u32 $0xFFFF0000, v17;
	v17 =	vand.u32 $0x1, v39  }
0xaf: {  	v24 =	vadd.s32 v24, v5;
	v7 =	vadd.f32 v14, v7;
	v5 =	vmul.f32 v5, v5  }
0xb0: {  	vm5 =	vgt.s32 v38, $0x3F000000;
	vm6 =	veq.s32 v38, $0x3F000000;
	v17 =	vadd.s32 v17, v32  }
0xb1: {  	v24 =	vadd.s32 $0x7FFF, v24;
	v8 =	vadd.f32 v18, v8;
	v20 =	vsel vm5, $0x8, v0  }
0xb2: {  	v15 =	vnsel vm5, $0x0, v38;
	v21 =	vsel vm6, $0x8, v0;
	v40 =	vadd.s32 $0x7FFF, v17  }
0xb3: {  	v41 =	vsel vm5, $0x3F800000, v2;
	v17 =	vand.u32 $0x1, v42;
	v24 =	vand.u32 $0xFFFF0000, v24  }
0xb4: {  	v5 =	vadd.f32 v5, v11;
	v9 =	vadd.f32 v15, v9;
	v15 =	vand.u32 $0xFFFF0000, v40  }
0xb5: {  	v10 =	vadd.f32 v41, v10;
	v17 =	vadd.s32 v17, v16;
	v16 =	vmul.f32 v16, v16  }
0xb6: {  	vm12 =	vgt.s32 v24, $0x3F000000;
	vm7 =	vgt.s32 v15, $0x3F000000;
	v17 =	vadd.s32 $0x7FFF, v17  }
0xb7: {  	vm8 =	veq.s32 v15, $0x3F000000;
	v15 =	vnsel vm7, $0x0, v15;
	v43 =	vand.u32 $0xFFFF0000, v17  }
0xb8: {  	v17 =	vadd.s32 $0x7FFF, v44;
	v9 =	vadd.f32 v15, v9;
	vm9 =	vgt.s32 v43, $0x3F000000  }
0xb9: {  	v7 =	vadd.f32 v8, v7;
	v17 =	vand.u32 $0xFFFF0000, v17;
	v15 =	vnsel vm9, $0x0, v43  }
0xba: {  	v45 =	vsel vm7, $0x3F800000, v2;
	vm11 =	vgt.s32 v17, $0x3F000000;
	v9 =	vadd.f32 v15, v9  }
0xbb: {  	v53 =	vor.u32 v20, v12;
	v10 =	vadd.f32 v45, v10;
	v47 =	vnsel vm11, $0x0, v17  }
0xbc: {  	v54 =	vor.u32 v21, v13;
	v50 =	vsel vm9, $0x3F800000, v2;
	v9 =	vadd.f32 v47, v9  }
0xbd: {  	v51 =	vnsel vm12, $0x0, v24;
	v6 =	vadd.f32 v16, v6;
	v10 =	vadd.f32 v50, v10  }
0xbe: {  	vm14 =	veq.s32 v24, $0x3F000000;
	v52 =	vsel vm11, $0x3F800000, v2;
	v9 =	vadd.f32 v51, v9  }
0xbf: {  	v55 =	vsel vm12, $0x3F800000, v2;
	v5 =	vadd.f32 v5, v6;
	v6 =	vadd.f32 v52, v10  }
0xc0: {  	v62 =	vsel vm14, $0x80, v0;
	v63 =	vsel vm12, $0x80, v0;
	v9 =	vadd.f32 v9, v9  }
0xc1: {  	v22 =	vsel vm7, $0x10, v0;
	v23 =	vsel vm8, $0x10, v0;
	v6 =	vadd.f32 v55, v6  }
0xc2: {  	vm10 =	veq.s32 v43, $0x3F000000;
	v5 =	vadd.f32 v5, v7;
	v57 =	vadd.f32 $1.000000000e+00, v9  }
0xc3: {  	v56 =	vor.u32 v22, v53;
	v46 =	vsel vm10, $0x20, v0;
	v59 =	vadd.f32 $1.000000000e+00, v6  }
0xc4: {  	vm13 =	veq.s32 v17, $0x3F000000;
	v9 =	vsub.f32 v5, v9;
	v5 =	vsub.f32 v5, v57  }
0xc5: {  	v49 =	vsel vm9, $0x20, v0;
	v60 =	vsel vm13, $0x40, v0;
	v10 =	vor.u32 v23, v54  }
0xc6: {  	p0 =	sne.s32 s11, $0x1;
	v10 =	vor.u32 v46, v10;
	v6 =	vadd.f32 v9, v6;
	v5 =	vadd.f32 v5, v59  }
.Ltmp5:
0xc7: {  	v58 =	vsel vm11, $0x40, v0;
	v7 =	vor.u32 v49, v56;
	v61 =	vor.u32 v60, v10;
	(pc) =	sbr.rel @p0 .LBB2_7-.Ltmp5, $4  }
0xc8: {  	v7 =	vor.u32 v58, v7;
	v8 =	vor.u32 v62, v61;
	vm15 =	vlt.f32 v5, v6  }
0xc9: {  	v5 =	vor.u32 v63, v7;
	v6 =	vnsel vm15, $0x0, v8  }
0xca: {  	v5 =	vor.u32 v6, v5  }
0xcb: {  	s12 =	sadd.s32 $0x10, s12;
	s13 =	sadd.s32 $0x10, s13;
	s11 =	sadd.s32 $0xFFFFFFFF, s11;
	[tilespmem:v4+s7+$0x0] =	vst.idx.msk vm0, v5  }
.Ltmp6:
0xcc: {  	_ = 	snop;
	(pc) =	sbr.rel .LBB2_8-.Ltmp6, $1  }
0xcd: {  	_ =	sdelay $0x3  }
.LBB2_9:
0xce: {  	_ =	sfence.sel $0x180000  }
0xcf: {  	[bflag:$0x0] =	sbarrier.arrive $0xFFFF  }
0xd0: {  	p0 =	sne.s32 s0, $0x0;
	_ =	strace $0x90000047  }
0xd1: {  	s0 =	sadd.s32 @!p0 $0x100000, s1;
	[bflag:$0x2] =	sbarrier.arrive $0xFFFF  }
0xd2: {  	[sflag:s0] =	ssyncadd.tile.s32 @!p0 $0x1;
	_ =	shalt  }
.Lfunc_end2:
_tile_overlayer_lowered:
.L_overlay_start_2:
0xd3: {  	(tag) =	ssettag $0x2  }
0xd4: {  	s0 =	rddreg [dreg:$0x0];
	s2 =	stileid.u32  }
0xd5: {  	s1 =	rddreg [dreg:$0x1];
	p0 =	sne.s32 s2, $0x0  }
0xd6: {  	s3 =	rddreg [dreg:$0x2];
	[bflag:$0x3] =	sbarrier.arrive $0xFFFF;
	s2 =	simm.s32 @!p0 $0x1C01  }
0xd7: {  	[timem:s3], [sflag:s2] =	dma.local @!p0 [hbm:s0], s1  }
0xd8: {  	s0 =	simm.s32 @!p0 $0x1  }
0xd9: {  	_ =	swait.ge @!p0 [sflag:s0], s1  }
0xda: {  	s1 =	ssub.s32 @!p0 $0x0, s1;
	[sflag:s0] =	ssyncset.done @!p0 $0x0  }
0xdb: {  	[sflag:s0] =	ssyncadd.s32 @!p0 s1  }
0xdc: {  	[bflag:$0x3] =	sbarrier.arrive $0xFFFF  }
0xdd: {  	_ =	shalt  }

</sc_bundles>
